<compile_context>
chip_gen: v7x
topology: tpu7x:2x2x1
jax: 0.10.2.dev20260603
libtpu: 0.0.44.dev20260713+nightly
codegen_flags: <defaults>
</compile_context>

<pallas_src>
import jax
import jax.numpy as jnp
from jax import lax
from jax.experimental import pallas as pl
from jax.experimental.pallas import tpu as pltpu
from jax.experimental.pallas import tpu_sc as plsc

_VOCAB = 1000000
_DIM = 64
_BATCH = 16384

_NC = 2
_NS = 16
_NW = _NC * _NS
_BPW = _BATCH // _NW


def _sc_gather_body(q_hbm, d_hbm, table_hbm, qout_hbm, dout_hbm,
                    idx_v, rows_v, sem):
    wid = lax.axis_index("s") * _NC + lax.axis_index("c")
    base = wid * _BPW

    for idx_hbm, out_hbm in ((q_hbm, qout_hbm), (d_hbm, dout_hbm)):
        pltpu.sync_copy(idx_hbm.at[pl.ds(base, _BPW)], idx_v)

        def issue_body(b, _):
            iv = idx_v[pl.ds(b * 16, 16)]
            for j in range(16):
                r = iv[j]
                pltpu.async_copy(
                    table_hbm.at[pl.ds(r, 1)],
                    rows_v.at[pl.ds(b * 16 + j, 1)],
                    sem,
                )
            return 0
        lax.fori_loop(0, _BPW // 16, issue_body, 0)

        pltpu.make_async_copy(table_hbm.at[pl.ds(0, _BPW)], rows_v, sem).wait()

        pltpu.sync_copy(rows_v, out_hbm.at[pl.ds(base, _BPW)])


_sc_gather = pl.kernel(
    _sc_gather_body,
    out_type=(
        jax.ShapeDtypeStruct((_BATCH, _DIM), jnp.float32),
        jax.ShapeDtypeStruct((_BATCH, _DIM), jnp.float32),
    ),
    mesh=plsc.VectorSubcoreMesh(core_axis_name="c", subcore_axis_name="s"),
    scratch_types=[
        pltpu.VMEM((_BPW,), jnp.int32),
        pltpu.VMEM((_BPW, _DIM), jnp.float32),
        pltpu.SemaphoreType.DMA,
    ],
)


def _proj_body(q_ref, d_ref, wq_ref, bq_ref, wd_ref, bd_ref, qo_ref, do_ref):
    q = q_ref[...]
    d = d_ref[...]
    yq = jnp.dot(q, wq_ref[...], preferred_element_type=jnp.float32) + bq_ref[...]
    yd = jnp.dot(d, wd_ref[...], preferred_element_type=jnp.float32) + bd_ref[...]
    sq = jnp.sum(yq * yq, axis=1, keepdims=True)
    sd = jnp.sum(yd * yd, axis=1, keepdims=True)
    qo_ref[...] = yq * lax.rsqrt(jnp.maximum(sq, 1e-24))
    do_ref[...] = yd * lax.rsqrt(jnp.maximum(sd, 1e-24))


def _tc_project(q_rows, d_rows, WqT, bq, WdT, bd):
    blk = 2048
    grid = (_BATCH // blk,)
    row_spec = pl.BlockSpec((blk, _DIM), lambda i: (i, 0))
    w_spec = pl.BlockSpec((_DIM, _DIM), lambda i: (0, 0))
    b_spec = pl.BlockSpec((1, _DIM), lambda i: (0, 0))
    return pl.pallas_call(
        _proj_body,
        grid=grid,
        in_specs=[row_spec, row_spec, w_spec, b_spec, w_spec, b_spec],
        out_specs=[row_spec, row_spec],
        out_shape=(
            jax.ShapeDtypeStruct((_BATCH, _DIM), jnp.float32),
            jax.ShapeDtypeStruct((_BATCH, _DIM), jnp.float32),
        ),
    )(q_rows, d_rows, WqT, bq, WdT, bd)


def kernel(queries, documents, table, Wq, bq, Wd, bd):
    q_rows, d_rows = _sc_gather(queries, documents, table)
    return _tc_project(q_rows, d_rows, Wq.T, bq.reshape(1, _DIM),
                       Wd.T, bd.reshape(1, _DIM))

# --- scband reference (transcript-rebuilt; emitter-appended) ---
"""Pipeline reference for scband-simple-local-dual-encoder-13451837571428 (READ-ONLY COPY).

The authoritative reference and input builder live on the scoring server;
editing this copy changes nothing except your own understanding.
"""

import jax, jax.numpy as jnp
import numpy as np

VOCAB = 1000000
DIM = 64
BATCH = 16384

def _normalize(x, eps=1e-12):
    norm = jnp.linalg.norm(x, ord=2, axis=1, keepdims=True)
    return x / jnp.maximum(norm, eps)

def setup_inputs(seed: int = 0) -> dict:
    key = jax.random.key(seed)
    k1, k2, k3, k4, k5, k6, k7, k8 = jax.random.split(key, 8)
    queries = jax.random.randint(k1, (BATCH,), 0, VOCAB, dtype=jnp.int64 if jax.config.jax_enable_x64 else jnp.int32)
    documents = jax.random.randint(k2, (BATCH,), 0, VOCAB, dtype=jnp.int64 if jax.config.jax_enable_x64 else jnp.int32)
    table = jax.random.normal(k3, (VOCAB, DIM), dtype=jnp.float32)
    Wq = jax.random.normal(k4, (DIM, DIM), dtype=jnp.float32) * (1.0 / np.sqrt(DIM))
    bq = jax.random.normal(k5, (DIM,), dtype=jnp.float32) * 0.01
    Wd = jax.random.normal(k6, (DIM, DIM), dtype=jnp.float32) * (1.0 / np.sqrt(DIM))
    bd = jax.random.normal(k7, (DIM,), dtype=jnp.float32) * 0.01
    return {"queries": queries, "documents": documents, "table": table, "Wq": Wq, "bq": bq, "Wd": Wd, "bd": bd}

def reference(queries, documents, table, Wq, bq, Wd, bd):
    # encode_text: hash-based embedding lookup -> here direct index lookup
    q_emb = jnp.take(table, queries, axis=0)
    d_emb = jnp.take(table, documents, axis=0)
    # query tower: linear projection + L2 normalize
    q_emb = q_emb @ Wq.T + bq
    q_emb = _normalize(q_emb)
    # doc tower: linear projection + L2 normalize
    d_emb = d_emb @ Wd.T + bd
    d_emb = _normalize(d_emb)
    return (q_emb, d_emb)

if __name__ == "__main__":
    import jax
    _d = setup_inputs()
    print(jax.jit(kernel)(*tuple(_d.values())))

</pallas_src>

<mosaic_0001>
#map = affine_map<(d0, d1) -> (0)>
#map1 = affine_map<(d0, d1) -> (0, 0)>
module attributes {stable_mosaic.version = 14 : i64} {
  func.func @_sc_gather_body(%arg0: i32, %arg1: i32, %arg2: memref<16384xi32, #tpu.memory_space<hbm>>, %arg3: memref<16384xi32, #tpu.memory_space<hbm>>, %arg4: memref<1000000x64xf32, #tpu.memory_space<hbm>>, %arg5: memref<16384x64xf32, #tpu.memory_space<hbm>>, %arg6: memref<16384x64xf32, #tpu.memory_space<hbm>>, %arg7: memref<512xi32, #tpu.memory_space<vmem>>, %arg8: memref<512x64xf32, #tpu.memory_space<vmem>>, %arg9: memref<!tpu.dma_semaphore, #tpu.memory_space<semaphore_mem>>) attributes {dimension_semantics = [#tpu.dimension_semantics<core_parallel>, #tpu.dimension_semantics<subcore_parallel>], iteration_bounds = array<i64: 2, 16>, scalar_prefetch = 0 : i64, scratch_operands = 3 : i64, tpu.core_type = #tpu.core_type<sc_vector_subcore>, window_params = [{transform_indices = #map}, {transform_indices = #map}, {transform_indices = #map1}, {transform_indices = #map1}, {transform_indices = #map1}]} {
    %mul3A = arith.constant 2 : i32
    %mul3A_0 = arith.muli %arg1, %mul3A : i32
    %add3A = arith.addi %mul3A_0, %arg0 : i32
    %mul3A_1 = arith.constant 512 : i32
    %mul3A_2 = arith.muli %add3A, %mul3A_1 : i32
    "tpu.region"() ({
      %run_scoped3A = tpu.sem_alloc : memref<!tpu.dma_semaphore, #tpu.memory_space<semaphore_mem>>
      %dma_start3A = tpu.memref_slice %arg2[%mul3A_2] : memref<16384xi32, #tpu.memory_space<hbm>> -> memref<512xi32, #tpu.memory_space<hbm>>
      %dma_start3A_27 = tpu.memref_slice %arg2[%mul3A_2] : memref<16384xi32, #tpu.memory_space<hbm>> -> memref<512xi32, #tpu.memory_space<hbm>>
      tpu.enqueue_dma source(%dma_start3A_27 : memref<512xi32, #tpu.memory_space<hbm>>) target(%arg7 : memref<512xi32, #tpu.memory_space<vmem>>) target_semaphore(%run_scoped3A : memref<!tpu.dma_semaphore, #tpu.memory_space<semaphore_mem>>)
      %dma_wait3A_28 = tpu.memref_slice %arg2[%mul3A_2] : memref<16384xi32, #tpu.memory_space<hbm>> -> memref<512xi32, #tpu.memory_space<hbm>>
      %dma_wait3A_29 = tpu.memref_slice %arg2[%mul3A_2] : memref<16384xi32, #tpu.memory_space<hbm>> -> memref<512xi32, #tpu.memory_space<hbm>>
      tpu.wait_dma2 semaphore(%run_scoped3A : memref<!tpu.dma_semaphore, #tpu.memory_space<semaphore_mem>>) src(%dma_wait3A_29 : memref<512xi32, #tpu.memory_space<hbm>>) dst(%arg7 : memref<512xi32, #tpu.memory_space<vmem>>)
      tpu.yield
    }) : () -> ()
    %scan3A = arith.constant 0 : i32
    %scan3A_3 = arith.constant 0 : i32
    %scan3A_4 = arith.constant 32 : i32
    %scan3A_5 = arith.addi %scan3A_3, %scan3A_4 : i32
    %scan3A_6 = arith.constant 1 : i32
    %scan3A_7 = scf.for %scan3A_27 = %scan3A_3 to %scan3A_5 step %scan3A_6 iter_args(%scan3A_28 = %scan3A) -> (i32)  : i32 {
      %mul3A_29 = arith.constant 16 : i32
      %mul3A_30 = arith.muli %scan3A_27, %mul3A_29 : i32
      %get3A = arith.index_cast %mul3A_30 : i32 to index
      %get3A_31 = tpu.vector_load %arg7[%get3A] {strides = array<i32>} : memref<512xi32, #tpu.memory_space<vmem>>, vector<16xi32>,
      %get3A_32 = vector.shape_cast %get3A_31 : vector<16xi32> to vector<16xi32>
      %slice3A = vector.extract_strided_slice %get3A_32 {offsets = [0], sizes = [1], strides = [1]} : vector<16xi32> to vector<1xi32>
      %squeeze3A = vector.extract %slice3A[0] : i32 from vector<1xi32>
      %mul3A_33 = arith.constant 16 : i32
      %mul3A_34 = arith.muli %scan3A_27, %mul3A_33 : i32
      %add3A_35 = arith.constant 0 : i32
      %add3A_36 = arith.addi %mul3A_34, %add3A_35 : i32
      %dma_start3A = arith.constant 0 : i32
      %dma_start3A_37 = tpu.memref_slice %arg8[%add3A_36, %dma_start3A] : memref<512x64xf32, #tpu.memory_space<vmem>> -> memref<1x64xf32, #tpu.memory_space<vmem>>
      %dma_start3A_38 = arith.constant 0 : i32
      %dma_start3A_39 = tpu.memref_slice %arg4[%squeeze3A, %dma_start3A_38] : memref<1000000x64xf32, #tpu.memory_space<hbm>> -> memref<1x64xf32, #tpu.memory_space<hbm>>
      %dma_start3A_40 = arith.constant 0 : i32
      %dma_start3A_41 = tpu.memref_slice %arg8[%add3A_36, %dma_start3A_40] : memref<512x64xf32, #tpu.memory_space<vmem>> -> memref<1x64xf32, #tpu.memory_space<vmem>>
      %dma_start3A_42 = arith.constant 0 : i32
      %dma_start3A_43 = tpu.memref_slice %arg4[%squeeze3A, %dma_start3A_42] : memref<1000000x64xf32, #tpu.memory_space<hbm>> -> memref<1x64xf32, #tpu.memory_space<hbm>>
      tpu.enqueue_dma source(%dma_start3A_43 : memref<1x64xf32, #tpu.memory_space<hbm>>) target(%dma_start3A_41 : memref<1x64xf32, #tpu.memory_space<vmem>>) target_semaphore(%arg9 : memref<!tpu.dma_semaphore, #tpu.memory_space<semaphore_mem>>)
      %slice3A_44 = vector.extract_strided_slice %get3A_32 {offsets = [1], sizes = [1], strides = [1]} : vector<16xi32> to vector<1xi32>
      %squeeze3A_45 = vector.extract %slice3A_44[0] : i32 from vector<1xi32>
      %mul3A_46 = arith.constant 16 : i32
      %mul3A_47 = arith.muli %scan3A_27, %mul3A_46 : i32
      %add3A_48 = arith.constant 1 : i32
      %add3A_49 = arith.addi %mul3A_47, %add3A_48 : i32
      %dma_start3A_50 = arith.constant 0 : i32
      %dma_start3A_51 = tpu.memref_slice %arg8[%add3A_49, %dma_start3A_50] : memref<512x64xf32, #tpu.memory_space<vmem>> -> memref<1x64xf32, #tpu.memory_space<vmem>>
      %dma_start3A_52 = arith.constant 0 : i32
      %dma_start3A_53 = tpu.memref_slice %arg4[%squeeze3A_45, %dma_start3A_52] : memref<1000000x64xf32, #tpu.memory_space<hbm>> -> memref<1x64xf32, #tpu.memory_space<hbm>>
      %dma_start3A_54 = arith.constant 0 : i32
      %dma_start3A_55 = tpu.memref_slice %arg8[%add3A_49, %dma_start3A_54] : memref<512x64xf32, #tpu.memory_space<vmem>> -> memref<1x64xf32, #tpu.memory_space<vmem>>
      %dma_start3A_56 = arith.constant 0 : i32
      %dma_start3A_57 = tpu.memref_slice %arg4[%squeeze3A_45, %dma_start3A_56] : memref<1000000x64xf32, #tpu.memory_space<hbm>> -> memref<1x64xf32, #tpu.memory_space<hbm>>
      tpu.enqueue_dma source(%dma_start3A_57 : memref<1x64xf32, #tpu.memory_space<hbm>>) target(%dma_start3A_55 : memref<1x64xf32, #tpu.memory_space<vmem>>) target_semaphore(%arg9 : memref<!tpu.dma_semaphore, #tpu.memory_space<semaphore_mem>>)
      %slice3A_58 = vector.extract_strided_slice %get3A_32 {offsets = [2], sizes = [1], strides = [1]} : vector<16xi32> to vector<1xi32>
      %squeeze3A_59 = vector.extract %slice3A_58[0] : i32 from vector<1xi32>
      %mul3A_60 = arith.constant 16 : i32
      %mul3A_61 = arith.muli %scan3A_27, %mul3A_60 : i32
      %add3A_62 = arith.constant 2 : i32
      %add3A_63 = arith.addi %mul3A_61, %add3A_62 : i32
      %dma_start3A_64 = arith.constant 0 : i32
      %dma_start3A_65 = tpu.memref_slice %arg8[%add3A_63, %dma_start3A_64] : memref<512x64xf32, #tpu.memory_space<vmem>> -> memref<1x64xf32, #tpu.memory_space<vmem>>
      %dma_start3A_66 = arith.constant 0 : i32
      %dma_start3A_67 = tpu.memref_slice %arg4[%squeeze3A_59, %dma_start3A_66] : memref<1000000x64xf32, #tpu.memory_space<hbm>> -> memref<1x64xf32, #tpu.memory_space<hbm>>
      %dma_start3A_68 = arith.constant 0 : i32
      %dma_start3A_69 = tpu.memref_slice %arg8[%add3A_63, %dma_start3A_68] : memref<512x64xf32, #tpu.memory_space<vmem>> -> memref<1x64xf32, #tpu.memory_space<vmem>>
      %dma_start3A_70 = arith.constant 0 : i32
      %dma_start3A_71 = tpu.memref_slice %arg4[%squeeze3A_59, %dma_start3A_70] : memref<1000000x64xf32, #tpu.memory_space<hbm>> -> memref<1x64xf32, #tpu.memory_space<hbm>>
      tpu.enqueue_dma source(%dma_start3A_71 : memref<1x64xf32, #tpu.memory_space<hbm>>) target(%dma_start3A_69 : memref<1x64xf32, #tpu.memory_space<vmem>>) target_semaphore(%arg9 : memref<!tpu.dma_semaphore, #tpu.memory_space<semaphore_mem>>)
      %slice3A_72 = vector.extract_strided_slice %get3A_32 {offsets = [3], sizes = [1], strides = [1]} : vector<16xi32> to vector<1xi32>
      %squeeze3A_73 = vector.extract %slice3A_72[0] : i32 from vector<1xi32>
      %mul3A_74 = arith.constant 16 : i32
      %mul3A_75 = arith.muli %scan3A_27, %mul3A_74 : i32
      %add3A_76 = arith.constant 3 : i32
      %add3A_77 = arith.addi %mul3A_75, %add3A_76 : i32
      %dma_start3A_78 = arith.constant 0 : i32
      %dma_start3A_79 = tpu.memref_slice %arg8[%add3A_77, %dma_start3A_78] : memref<512x64xf32, #tpu.memory_space<vmem>> -> memref<1x64xf32, #tpu.memory_space<vmem>>
      %dma_start3A_80 = arith.constant 0 : i32
      %dma_start3A_81 = tpu.memref_slice %arg4[%squeeze3A_73, %dma_start3A_80] : memref<1000000x64xf32, #tpu.memory_space<hbm>> -> memref<1x64xf32, #tpu.memory_space<hbm>>
      %dma_start3A_82 = arith.constant 0 : i32
      %dma_start3A_83 = tpu.memref_slice %arg8[%add3A_77, %dma_start3A_82] : memref<512x64xf32, #tpu.memory_space<vmem>> -> memref<1x64xf32, #tpu.memory_space<vmem>>
      %dma_start3A_84 = arith.constant 0 : i32
      %dma_start3A_85 = tpu.memref_slice %arg4[%squeeze3A_73, %dma_start3A_84] : memref<1000000x64xf32, #tpu.memory_space<hbm>> -> memref<1x64xf32, #tpu.memory_space<hbm>>
      tpu.enqueue_dma source(%dma_start3A_85 : memref<1x64xf32, #tpu.memory_space<hbm>>) target(%dma_start3A_83 : memref<1x64xf32, #tpu.memory_space<vmem>>) target_semaphore(%arg9 : memref<!tpu.dma_semaphore, #tpu.memory_space<semaphore_mem>>)
      %slice3A_86 = vector.extract_strided_slice %get3A_32 {offsets = [4], sizes = [1], strides = [1]} : vector<16xi32> to vector<1xi32>
      %squeeze3A_87 = vector.extract %slice3A_86[0] : i32 from vector<1xi32>
      %mul3A_88 = arith.constant 16 : i32
      %mul3A_89 = arith.muli %scan3A_27, %mul3A_88 : i32
      %add3A_90 = arith.constant 4 : i32
      %add3A_91 = arith.addi %mul3A_89, %add3A_90 : i32
      %dma_start3A_92 = arith.constant 0 : i32
      %dma_start3A_93 = tpu.memref_slice %arg8[%add3A_91, %dma_start3A_92] : memref<512x64xf32, #tpu.memory_space<vmem>> -> memref<1x64xf32, #tpu.memory_space<vmem>>
      %dma_start3A_94 = arith.constant 0 : i32
      %dma_start3A_95 = tpu.memref_slice %arg4[%squeeze3A_87, %dma_start3A_94] : memref<1000000x64xf32, #tpu.memory_space<hbm>> -> memref<1x64xf32, #tpu.memory_space<hbm>>
      %dma_start3A_96 = arith.constant 0 : i32
      %dma_start3A_97 = tpu.memref_slice %arg8[%add3A_91, %dma_start3A_96] : memref<512x64xf32, #tpu.memory_space<vmem>> -> memref<1x64xf32, #tpu.memory_space<vmem>>
      %dma_start3A_98 = arith.constant 0 : i32
      %dma_start3A_99 = tpu.memref_slice %arg4[%squeeze3A_87, %dma_start3A_98] : memref<1000000x64xf32, #tpu.memory_space<hbm>> -> memref<1x64xf32, #tpu.memory_space<hbm>>
      tpu.enqueue_dma source(%dma_start3A_99 : memref<1x64xf32, #tpu.memory_space<hbm>>) target(%dma_start3A_97 : memref<1x64xf32, #tpu.memory_space<vmem>>) target_semaphore(%arg9 : memref<!tpu.dma_semaphore, #tpu.memory_space<semaphore_mem>>)
      %slice3A_100 = vector.extract_strided_slice %get3A_32 {offsets = [5], sizes = [1], strides = [1]} : vector<16xi32> to vector<1xi32>
      %squeeze3A_101 = vector.extract %slice3A_100[0] : i32 from vector<1xi32>
      %mul3A_102 = arith.constant 16 : i32
      %mul3A_103 = arith.muli %scan3A_27, %mul3A_102 : i32
      %add3A_104 = arith.constant 5 : i32
      %add3A_105 = arith.addi %mul3A_103, %add3A_104 : i32
      %dma_start3A_106 = arith.constant 0 : i32
      %dma_start3A_107 = tpu.memref_slice %arg8[%add3A_105, %dma_start3A_106] : memref<512x64xf32, #tpu.memory_space<vmem>> -> memref<1x64xf32, #tpu.memory_space<vmem>>
      %dma_start3A_108 = arith.constant 0 : i32
      %dma_start3A_109 = tpu.memref_slice %arg4[%squeeze3A_101, %dma_start3A_108] : memref<1000000x64xf32, #tpu.memory_space<hbm>> -> memref<1x64xf32, #tpu.memory_space<hbm>>
      %dma_start3A_110 = arith.constant 0 : i32
      %dma_start3A_111 = tpu.memref_slice %arg8[%add3A_105, %dma_start3A_110] : memref<512x64xf32, #tpu.memory_space<vmem>> -> memref<1x64xf32, #tpu.memory_space<vmem>>
      %dma_start3A_112 = arith.constant 0 : i32
      %dma_start3A_113 = tpu.memref_slice %arg4[%squeeze3A_101, %dma_start3A_112] : memref<1000000x64xf32, #tpu.memory_space<hbm>> -> memref<1x64xf32, #tpu.memory_space<hbm>>
      tpu.enqueue_dma source(%dma_start3A_113 : memref<1x64xf32, #tpu.memory_space<hbm>>) target(%dma_start3A_111 : memref<1x64xf32, #tpu.memory_space<vmem>>) target_semaphore(%arg9 : memref<!tpu.dma_semaphore, #tpu.memory_space<semaphore_mem>>)
      %slice3A_114 = vector.extract_strided_slice %get3A_32 {offsets = [6], sizes = [1], strides = [1]} : vector<16xi32> to vector<1xi32>
      %squeeze3A_115 = vector.extract %slice3A_114[0] : i32 from vector<1xi32>
      %mul3A_116 = arith.constant 16 : i32
      %mul3A_117 = arith.muli %scan3A_27, %mul3A_116 : i32
      %add3A_118 = arith.constant 6 : i32
      %add3A_119 = arith.addi %mul3A_117, %add3A_118 : i32
      %dma_start3A_120 = arith.constant 0 : i32
      %dma_start3A_121 = tpu.memref_slice %arg8[%add3A_119, %dma_start3A_120] : memref<512x64xf32, #tpu.memory_space<vmem>> -> memref<1x64xf32, #tpu.memory_space<vmem>>
      %dma_start3A_122 = arith.constant 0 : i32
      %dma_start3A_123 = tpu.memref_slice %arg4[%squeeze3A_115, %dma_start3A_122] : memref<1000000x64xf32, #tpu.memory_space<hbm>> -> memref<1x64xf32, #tpu.memory_space<hbm>>
      %dma_start3A_124 = arith.constant 0 : i32
      %dma_start3A_125 = tpu.memref_slice %arg8[%add3A_119, %dma_start3A_124] : memref<512x64xf32, #tpu.memory_space<vmem>> -> memref<1x64xf32, #tpu.memory_space<vmem>>
      %dma_start3A_126 = arith.constant 0 : i32
      %dma_start3A_127 = tpu.memref_slice %arg4[%squeeze3A_115, %dma_start3A_126] : memref<1000000x64xf32, #tpu.memory_space<hbm>> -> memref<1x64xf32, #tpu.memory_space<hbm>>
      tpu.enqueue_dma source(%dma_start3A_127 : memref<1x64xf32, #tpu.memory_space<hbm>>) target(%dma_start3A_125 : memref<1x64xf32, #tpu.memory_space<vmem>>) target_semaphore(%arg9 : memref<!tpu.dma_semaphore, #tpu.memory_space<semaphore_mem>>)
      %slice3A_128 = vector.extract_strided_slice %get3A_32 {offsets = [7], sizes = [1], strides = [1]} : vector<16xi32> to vector<1xi32>
      %squeeze3A_129 = vector.extract %slice3A_128[0] : i32 from vector<1xi32>
      %mul3A_130 = arith.constant 16 : i32
      %mul3A_131 = arith.muli %scan3A_27, %mul3A_130 : i32
      %add3A_132 = arith.constant 7 : i32
      %add3A_133 = arith.addi %mul3A_131, %add3A_132 : i32
      %dma_start3A_134 = arith.constant 0 : i32
      %dma_start3A_135 = tpu.memref_slice %arg8[%add3A_133, %dma_start3A_134] : memref<512x64xf32, #tpu.memory_space<vmem>> -> memref<1x64xf32, #tpu.memory_space<vmem>>
      %dma_start3A_136 = arith.constant 0 : i32
      %dma_start3A_137 = tpu.memref_slice %arg4[%squeeze3A_129, %dma_start3A_136] : memref<1000000x64xf32, #tpu.memory_space<hbm>> -> memref<1x64xf32, #tpu.memory_space<hbm>>
      %dma_start3A_138 = arith.constant 0 : i32
      %dma_start3A_139 = tpu.memref_slice %arg8[%add3A_133, %dma_start3A_138] : memref<512x64xf32, #tpu.memory_space<vmem>> -> memref<1x64xf32, #tpu.memory_space<vmem>>
      %dma_start3A_140 = arith.constant 0 : i32
      %dma_start3A_141 = tpu.memref_slice %arg4[%squeeze3A_129, %dma_start3A_140] : memref<1000000x64xf32, #tpu.memory_space<hbm>> -> memref<1x64xf32, #tpu.memory_space<hbm>>
      tpu.enqueue_dma source(%dma_start3A_141 : memref<1x64xf32, #tpu.memory_space<hbm>>) target(%dma_start3A_139 : memref<1x64xf32, #tpu.memory_space<vmem>>) target_semaphore(%arg9 : memref<!tpu.dma_semaphore, #tpu.memory_space<semaphore_mem>>)
      %slice3A_142 = vector.extract_strided_slice %get3A_32 {offsets = [8], sizes = [1], strides = [1]} : vector<16xi32> to vector<1xi32>
      %squeeze3A_143 = vector.extract %slice3A_142[0] : i32 from vector<1xi32>
      %mul3A_144 = arith.constant 16 : i32
      %mul3A_145 = arith.muli %scan3A_27, %mul3A_144 : i32
      %add3A_146 = arith.constant 8 : i32
      %add3A_147 = arith.addi %mul3A_145, %add3A_146 : i32
      %dma_start3A_148 = arith.constant 0 : i32
      %dma_start3A_149 = tpu.memref_slice %arg8[%add3A_147, %dma_start3A_148] : memref<512x64xf32, #tpu.memory_space<vmem>> -> memref<1x64xf32, #tpu.memory_space<vmem>>
      %dma_start3A_150 = arith.constant 0 : i32
      %dma_start3A_151 = tpu.memref_slice %arg4[%squeeze3A_143, %dma_start3A_150] : memref<1000000x64xf32, #tpu.memory_space<hbm>> -> memref<1x64xf32, #tpu.memory_space<hbm>>
      %dma_start3A_152 = arith.constant 0 : i32
      %dma_start3A_153 = tpu.memref_slice %arg8[%add3A_147, %dma_start3A_152] : memref<512x64xf32, #tpu.memory_space<vmem>> -> memref<1x64xf32, #tpu.memory_space<vmem>>
      %dma_start3A_154 = arith.constant 0 : i32
      %dma_start3A_155 = tpu.memref_slice %arg4[%squeeze3A_143, %dma_start3A_154] : memref<1000000x64xf32, #tpu.memory_space<hbm>> -> memref<1x64xf32, #tpu.memory_space<hbm>>
      tpu.enqueue_dma source(%dma_start3A_155 : memref<1x64xf32, #tpu.memory_space<hbm>>) target(%dma_start3A_153 : memref<1x64xf32, #tpu.memory_space<vmem>>) target_semaphore(%arg9 : memref<!tpu.dma_semaphore, #tpu.memory_space<semaphore_mem>>)
      %slice3A_156 = vector.extract_strided_slice %get3A_32 {offsets = [9], sizes = [1], strides = [1]} : vector<16xi32> to vector<1xi32>
      %squeeze3A_157 = vector.extract %slice3A_156[0] : i32 from vector<1xi32>
      %mul3A_158 = arith.constant 16 : i32
      %mul3A_159 = arith.muli %scan3A_27, %mul3A_158 : i32
      %add3A_160 = arith.constant 9 : i32
      %add3A_161 = arith.addi %mul3A_159, %add3A_160 : i32
      %dma_start3A_162 = arith.constant 0 : i32
      %dma_start3A_163 = tpu.memref_slice %arg8[%add3A_161, %dma_start3A_162] : memref<512x64xf32, #tpu.memory_space<vmem>> -> memref<1x64xf32, #tpu.memory_space<vmem>>
      %dma_start3A_164 = arith.constant 0 : i32
      %dma_start3A_165 = tpu.memref_slice %arg4[%squeeze3A_157, %dma_start3A_164] : memref<1000000x64xf32, #tpu.memory_space<hbm>> -> memref<1x64xf32, #tpu.memory_space<hbm>>
      %dma_start3A_166 = arith.constant 0 : i32
      %dma_start3A_167 = tpu.memref_slice %arg8[%add3A_161, %dma_start3A_166] : memref<512x64xf32, #tpu.memory_space<vmem>> -> memref<1x64xf32, #tpu.memory_space<vmem>>
      %dma_start3A_168 = arith.constant 0 : i32
      %dma_start3A_169 = tpu.memref_slice %arg4[%squeeze3A_157, %dma_start3A_168] : memref<1000000x64xf32, #tpu.memory_space<hbm>> -> memref<1x64xf32, #tpu.memory_space<hbm>>
      tpu.enqueue_dma source(%dma_start3A_169 : memref<1x64xf32, #tpu.memory_space<hbm>>) target(%dma_start3A_167 : memref<1x64xf32, #tpu.memory_space<vmem>>) target_semaphore(%arg9 : memref<!tpu.dma_semaphore, #tpu.memory_space<semaphore_mem>>)
      %slice3A_170 = vector.extract_strided_slice %get3A_32 {offsets = [10], sizes = [1], strides = [1]} : vector<16xi32> to vector<1xi32>
      %squeeze3A_171 = vector.extract %slice3A_170[0] : i32 from vector<1xi32>
      %mul3A_172 = arith.constant 16 : i32
      %mul3A_173 = arith.muli %scan3A_27, %mul3A_172 : i32
      %add3A_174 = arith.constant 10 : i32
      %add3A_175 = arith.addi %mul3A_173, %add3A_174 : i32
      %dma_start3A_176 = arith.constant 0 : i32
      %dma_start3A_177 = tpu.memref_slice %arg8[%add3A_175, %dma_start3A_176] : memref<512x64xf32, #tpu.memory_space<vmem>> -> memref<1x64xf32, #tpu.memory_space<vmem>>
      %dma_start3A_178 = arith.constant 0 : i32
      %dma_start3A_179 = tpu.memref_slice %arg4[%squeeze3A_171, %dma_start3A_178] : memref<1000000x64xf32, #tpu.memory_space<hbm>> -> memref<1x64xf32, #tpu.memory_space<hbm>>
      %dma_start3A_180 = arith.constant 0 : i32
      %dma_start3A_181 = tpu.memref_slice %arg8[%add3A_175, %dma_start3A_180] : memref<512x64xf32, #tpu.memory_space<vmem>> -> memref<1x64xf32, #tpu.memory_space<vmem>>
      %dma_start3A_182 = arith.constant 0 : i32
      %dma_start3A_183 = tpu.memref_slice %arg4[%squeeze3A_171, %dma_start3A_182] : memref<1000000x64xf32, #tpu.memory_space<hbm>> -> memref<1x64xf32, #tpu.memory_space<hbm>>
      tpu.enqueue_dma source(%dma_start3A_183 : memref<1x64xf32, #tpu.memory_space<hbm>>) target(%dma_start3A_181 : memref<1x64xf32, #tpu.memory_space<vmem>>) target_semaphore(%arg9 : memref<!tpu.dma_semaphore, #tpu.memory_space<semaphore_mem>>)
      %slice3A_184 = vector.extract_strided_slice %get3A_32 {offsets = [11], sizes = [1], strides = [1]} : vector<16xi32> to vector<1xi32>
      %squeeze3A_185 = vector.extract %slice3A_184[0] : i32 from vector<1xi32>
      %mul3A_186 = arith.constant 16 : i32
      %mul3A_187 = arith.muli %scan3A_27, %mul3A_186 : i32
      %add3A_188 = arith.constant 11 : i32
      %add3A_189 = arith.addi %mul3A_187, %add3A_188 : i32
      %dma_start3A_190 = arith.constant 0 : i32
      %dma_start3A_191 = tpu.memref_slice %arg8[%add3A_189, %dma_start3A_190] : memref<512x64xf32, #tpu.memory_space<vmem>> -> memref<1x64xf32, #tpu.memory_space<vmem>>
      %dma_start3A_192 = arith.constant 0 : i32
      %dma_start3A_193 = tpu.memref_slice %arg4[%squeeze3A_185, %dma_start3A_192] : memref<1000000x64xf32, #tpu.memory_space<hbm>> -> memref<1x64xf32, #tpu.memory_space<hbm>>
      %dma_start3A_194 = arith.constant 0 : i32
      %dma_start3A_195 = tpu.memref_slice %arg8[%add3A_189, %dma_start3A_194] : memref<512x64xf32, #tpu.memory_space<vmem>> -> memref<1x64xf32, #tpu.memory_space<vmem>>
      %dma_start3A_196 = arith.constant 0 : i32
      %dma_start3A_197 = tpu.memref_slice %arg4[%squeeze3A_185, %dma_start3A_196] : memref<1000000x64xf32, #tpu.memory_space<hbm>> -> memref<1x64xf32, #tpu.memory_space<hbm>>
      tpu.enqueue_dma source(%dma_start3A_197 : memref<1x64xf32, #tpu.memory_space<hbm>>) target(%dma_start3A_195 : memref<1x64xf32, #tpu.memory_space<vmem>>) target_semaphore(%arg9 : memref<!tpu.dma_semaphore, #tpu.memory_space<semaphore_mem>>)
      %slice3A_198 = vector.extract_strided_slice %get3A_32 {offsets = [12], sizes = [1], strides = [1]} : vector<16xi32> to vector<1xi32>
      %squeeze3A_199 = vector.extract %slice3A_198[0] : i32 from vector<1xi32>
      %mul3A_200 = arith.constant 16 : i32
      %mul3A_201 = arith.muli %scan3A_27, %mul3A_200 : i32
      %add3A_202 = arith.constant 12 : i32
      %add3A_203 = arith.addi %mul3A_201, %add3A_202 : i32
      %dma_start3A_204 = arith.constant 0 : i32
      %dma_start3A_205 = tpu.memref_slice %arg8[%add3A_203, %dma_start3A_204] : memref<512x64xf32, #tpu.memory_space<vmem>> -> memref<1x64xf32, #tpu.memory_space<vmem>>
      %dma_start3A_206 = arith.constant 0 : i32
      %dma_start3A_207 = tpu.memref_slice %arg4[%squeeze3A_199, %dma_start3A_206] : memref<1000000x64xf32, #tpu.memory_space<hbm>> -> memref<1x64xf32, #tpu.memory_space<hbm>>
      %dma_start3A_208 = arith.constant 0 : i32
      %dma_start3A_209 = tpu.memref_slice %arg8[%add3A_203, %dma_start3A_208] : memref<512x64xf32, #tpu.memory_space<vmem>> -> memref<1x64xf32, #tpu.memory_space<vmem>>
      %dma_start3A_210 = arith.constant 0 : i32
      %dma_start3A_211 = tpu.memref_slice %arg4[%squeeze3A_199, %dma_start3A_210] : memref<1000000x64xf32, #tpu.memory_space<hbm>> -> memref<1x64xf32, #tpu.memory_space<hbm>>
      tpu.enqueue_dma source(%dma_start3A_211 : memref<1x64xf32, #tpu.memory_space<hbm>>) target(%dma_start3A_209 : memref<1x64xf32, #tpu.memory_space<vmem>>) target_semaphore(%arg9 : memref<!tpu.dma_semaphore, #tpu.memory_space<semaphore_mem>>)
      %slice3A_212 = vector.extract_strided_slice %get3A_32 {offsets = [13], sizes = [1], strides = [1]} : vector<16xi32> to vector<1xi32>
      %squeeze3A_213 = vector.extract %slice3A_212[0] : i32 from vector<1xi32>
      %mul3A_214 = arith.constant 16 : i32
      %mul3A_215 = arith.muli %scan3A_27, %mul3A_214 : i32
      %add3A_216 = arith.constant 13 : i32
      %add3A_217 = arith.addi %mul3A_215, %add3A_216 : i32
      %dma_start3A_218 = arith.constant 0 : i32
      %dma_start3A_219 = tpu.memref_slice %arg8[%add3A_217, %dma_start3A_218] : memref<512x64xf32, #tpu.memory_space<vmem>> -> memref<1x64xf32, #tpu.memory_space<vmem>>
      %dma_start3A_220 = arith.constant 0 : i32
      %dma_start3A_221 = tpu.memref_slice %arg4[%squeeze3A_213, %dma_start3A_220] : memref<1000000x64xf32, #tpu.memory_space<hbm>> -> memref<1x64xf32, #tpu.memory_space<hbm>>
      %dma_start3A_222 = arith.constant 0 : i32
      %dma_start3A_223 = tpu.memref_slice %arg8[%add3A_217, %dma_start3A_222] : memref<512x64xf32, #tpu.memory_space<vmem>> -> memref<1x64xf32, #tpu.memory_space<vmem>>
      %dma_start3A_224 = arith.constant 0 : i32
      %dma_start3A_225 = tpu.memref_slice %arg4[%squeeze3A_213, %dma_start3A_224] : memref<1000000x64xf32, #tpu.memory_space<hbm>> -> memref<1x64xf32, #tpu.memory_space<hbm>>
      tpu.enqueue_dma source(%dma_start3A_225 : memref<1x64xf32, #tpu.memory_space<hbm>>) target(%dma_start3A_223 : memref<1x64xf32, #tpu.memory_space<vmem>>) target_semaphore(%arg9 : memref<!tpu.dma_semaphore, #tpu.memory_space<semaphore_mem>>)
      %slice3A_226 = vector.extract_strided_slice %get3A_32 {offsets = [14], sizes = [1], strides = [1]} : vector<16xi32> to vector<1xi32>
      %squeeze3A_227 = vector.extract %slice3A_226[0] : i32 from vector<1xi32>
      %mul3A_228 = arith.constant 16 : i32
      %mul3A_229 = arith.muli %scan3A_27, %mul3A_228 : i32
      %add3A_230 = arith.constant 14 : i32
      %add3A_231 = arith.addi %mul3A_229, %add3A_230 : i32
      %dma_start3A_232 = arith.constant 0 : i32
      %dma_start3A_233 = tpu.memref_slice %arg8[%add3A_231, %dma_start3A_232] : memref<512x64xf32, #tpu.memory_space<vmem>> -> memref<1x64xf32, #tpu.memory_space<vmem>>
      %dma_start3A_234 = arith.constant 0 : i32
      %dma_start3A_235 = tpu.memref_slice %arg4[%squeeze3A_227, %dma_start3A_234] : memref<1000000x64xf32, #tpu.memory_space<hbm>> -> memref<1x64xf32, #tpu.memory_space<hbm>>
      %dma_start3A_236 = arith.constant 0 : i32
      %dma_start3A_237 = tpu.memref_slice %arg8[%add3A_231, %dma_start3A_236] : memref<512x64xf32, #tpu.memory_space<vmem>> -> memref<1x64xf32, #tpu.memory_space<vmem>>
      %dma_start3A_238 = arith.constant 0 : i32
      %dma_start3A_239 = tpu.memref_slice %arg4[%squeeze3A_227, %dma_start3A_238] : memref<1000000x64xf32, #tpu.memory_space<hbm>> -> memref<1x64xf32, #tpu.memory_space<hbm>>
      tpu.enqueue_dma source(%dma_start3A_239 : memref<1x64xf32, #tpu.memory_space<hbm>>) target(%dma_start3A_237 : memref<1x64xf32, #tpu.memory_space<vmem>>) target_semaphore(%arg9 : memref<!tpu.dma_semaphore, #tpu.memory_space<semaphore_mem>>)
      %slice3A_240 = vector.extract_strided_slice %get3A_32 {offsets = [15], sizes = [1], strides = [1]} : vector<16xi32> to vector<1xi32>
      %squeeze3A_241 = vector.extract %slice3A_240[0] : i32 from vector<1xi32>
      %mul3A_242 = arith.constant 16 : i32
      %mul3A_243 = arith.muli %scan3A_27, %mul3A_242 : i32
      %add3A_244 = arith.constant 15 : i32
      %add3A_245 = arith.addi %mul3A_243, %add3A_244 : i32
      %dma_start3A_246 = arith.constant 0 : i32
      %dma_start3A_247 = tpu.memref_slice %arg8[%add3A_245, %dma_start3A_246] : memref<512x64xf32, #tpu.memory_space<vmem>> -> memref<1x64xf32, #tpu.memory_space<vmem>>
      %dma_start3A_248 = arith.constant 0 : i32
      %dma_start3A_249 = tpu.memref_slice %arg4[%squeeze3A_241, %dma_start3A_248] : memref<1000000x64xf32, #tpu.memory_space<hbm>> -> memref<1x64xf32, #tpu.memory_space<hbm>>
      %dma_start3A_250 = arith.constant 0 : i32
      %dma_start3A_251 = tpu.memref_slice %arg8[%add3A_245, %dma_start3A_250] : memref<512x64xf32, #tpu.memory_space<vmem>> -> memref<1x64xf32, #tpu.memory_space<vmem>>
      %dma_start3A_252 = arith.constant 0 : i32
      %dma_start3A_253 = tpu.memref_slice %arg4[%squeeze3A_241, %dma_start3A_252] : memref<1000000x64xf32, #tpu.memory_space<hbm>> -> memref<1x64xf32, #tpu.memory_space<hbm>>
      tpu.enqueue_dma source(%dma_start3A_253 : memref<1x64xf32, #tpu.memory_space<hbm>>) target(%dma_start3A_251 : memref<1x64xf32, #tpu.memory_space<vmem>>) target_semaphore(%arg9 : memref<!tpu.dma_semaphore, #tpu.memory_space<semaphore_mem>>)
      %scan3A_254 = arith.constant 0 : i32
      scf.yield %scan3A_254 : i32
    }
    %scan3A_8 = arith.constant 32 : i32
    %dma_wait3A = arith.constant 0 : i32
    %dma_wait3A_9 = arith.constant 0 : i32
    %dma_wait3A_10 = tpu.memref_slice %arg4[%dma_wait3A, %dma_wait3A_9] : memref<1000000x64xf32, #tpu.memory_space<hbm>> -> memref<512x64xf32, #tpu.memory_space<hbm>>
    %dma_wait3A_11 = arith.constant 0 : i32
    %dma_wait3A_12 = arith.constant 0 : i32
    %dma_wait3A_13 = tpu.memref_slice %arg4[%dma_wait3A_11, %dma_wait3A_12] : memref<1000000x64xf32, #tpu.memory_space<hbm>> -> memref<512x64xf32, #tpu.memory_space<hbm>>
    tpu.wait_dma2 semaphore(%arg9 : memref<!tpu.dma_semaphore, #tpu.memory_space<semaphore_mem>>) src(%dma_wait3A_13 : memref<512x64xf32, #tpu.memory_space<hbm>>) dst(%arg8 : memref<512x64xf32, #tpu.memory_space<vmem>>)
    "tpu.region"() ({
      %run_scoped3A = tpu.sem_alloc : memref<!tpu.dma_semaphore, #tpu.memory_space<semaphore_mem>>
      %dma_start3A = arith.constant 0 : i32
      %dma_start3A_27 = tpu.memref_slice %arg5[%mul3A_2, %dma_start3A] : memref<16384x64xf32, #tpu.memory_space<hbm>> -> memref<512x64xf32, #tpu.memory_space<hbm>>
      %dma_start3A_28 = arith.constant 0 : i32
      %dma_start3A_29 = tpu.memref_slice %arg5[%mul3A_2, %dma_start3A_28] : memref<16384x64xf32, #tpu.memory_space<hbm>> -> memref<512x64xf32, #tpu.memory_space<hbm>>
      tpu.enqueue_dma source(%arg8 : memref<512x64xf32, #tpu.memory_space<vmem>>) target(%dma_start3A_29 : memref<512x64xf32, #tpu.memory_space<hbm>>) target_semaphore(%run_scoped3A : memref<!tpu.dma_semaphore, #tpu.memory_space<semaphore_mem>>)
      %dma_wait3A_30 = arith.constant 0 : i32
      %dma_wait3A_31 = tpu.memref_slice %arg5[%mul3A_2, %dma_wait3A_30] : memref<16384x64xf32, #tpu.memory_space<hbm>> -> memref<512x64xf32, #tpu.memory_space<hbm>>
      %dma_wait3A_32 = arith.constant 0 : i32
      %dma_wait3A_33 = tpu.memref_slice %arg5[%mul3A_2, %dma_wait3A_32] : memref<16384x64xf32, #tpu.memory_space<hbm>> -> memref<512x64xf32, #tpu.memory_space<hbm>>
      tpu.wait_dma2 semaphore(%run_scoped3A : memref<!tpu.dma_semaphore, #tpu.memory_space<semaphore_mem>>) src(%arg8 : memref<512x64xf32, #tpu.memory_space<vmem>>) dst(%dma_wait3A_33 : memref<512x64xf32, #tpu.memory_space<hbm>>)
      tpu.yield
    }) : () -> ()
    "tpu.region"() ({
      %run_scoped3A = tpu.sem_alloc : memref<!tpu.dma_semaphore, #tpu.memory_space<semaphore_mem>>
      %dma_start3A = tpu.memref_slice %arg3[%mul3A_2] : memref<16384xi32, #tpu.memory_space<hbm>> -> memref<512xi32, #tpu.memory_space<hbm>>
      %dma_start3A_27 = tpu.memref_slice %arg3[%mul3A_2] : memref<16384xi32, #tpu.memory_space<hbm>> -> memref<512xi32, #tpu.memory_space<hbm>>
      tpu.enqueue_dma source(%dma_start3A_27 : memref<512xi32, #tpu.memory_space<hbm>>) target(%arg7 : memref<512xi32, #tpu.memory_space<vmem>>) target_semaphore(%run_scoped3A : memref<!tpu.dma_semaphore, #tpu.memory_space<semaphore_mem>>)
      %dma_wait3A_28 = tpu.memref_slice %arg3[%mul3A_2] : memref<16384xi32, #tpu.memory_space<hbm>> -> memref<512xi32, #tpu.memory_space<hbm>>
      %dma_wait3A_29 = tpu.memref_slice %arg3[%mul3A_2] : memref<16384xi32, #tpu.memory_space<hbm>> -> memref<512xi32, #tpu.memory_space<hbm>>
      tpu.wait_dma2 semaphore(%run_scoped3A : memref<!tpu.dma_semaphore, #tpu.memory_space<semaphore_mem>>) src(%dma_wait3A_29 : memref<512xi32, #tpu.memory_space<hbm>>) dst(%arg7 : memref<512xi32, #tpu.memory_space<vmem>>)
      tpu.yield
    }) : () -> ()
    %scan3A_14 = arith.constant 0 : i32
    %scan3A_15 = arith.constant 0 : i32
    %scan3A_16 = arith.constant 32 : i32
    %scan3A_17 = arith.addi %scan3A_15, %scan3A_16 : i32
    %scan3A_18 = arith.constant 1 : i32
    %scan3A_19 = scf.for %scan3A_27 = %scan3A_15 to %scan3A_17 step %scan3A_18 iter_args(%scan3A_28 = %scan3A_14) -> (i32)  : i32 {
      %mul3A_29 = arith.constant 16 : i32
      %mul3A_30 = arith.muli %scan3A_27, %mul3A_29 : i32
      %get3A = arith.index_cast %mul3A_30 : i32 to index
      %get3A_31 = tpu.vector_load %arg7[%get3A] {strides = array<i32>} : memref<512xi32, #tpu.memory_space<vmem>>, vector<16xi32>,
      %get3A_32 = vector.shape_cast %get3A_31 : vector<16xi32> to vector<16xi32>
      %slice3A = vector.extract_strided_slice %get3A_32 {offsets = [0], sizes = [1], strides = [1]} : vector<16xi32> to vector<1xi32>
      %squeeze3A = vector.extract %slice3A[0] : i32 from vector<1xi32>
      %mul3A_33 = arith.constant 16 : i32
      %mul3A_34 = arith.muli %scan3A_27, %mul3A_33 : i32
      %add3A_35 = arith.constant 0 : i32
      %add3A_36 = arith.addi %mul3A_34, %add3A_35 : i32
      %dma_start3A = arith.constant 0 : i32
      %dma_start3A_37 = tpu.memref_slice %arg8[%add3A_36, %dma_start3A] : memref<512x64xf32, #tpu.memory_space<vmem>> -> memref<1x64xf32, #tpu.memory_space<vmem>>
      %dma_start3A_38 = arith.constant 0 : i32
      %dma_start3A_39 = tpu.memref_slice %arg4[%squeeze3A, %dma_start3A_38] : memref<1000000x64xf32, #tpu.memory_space<hbm>> -> memref<1x64xf32, #tpu.memory_space<hbm>>
      %dma_start3A_40 = arith.constant 0 : i32
      %dma_start3A_41 = tpu.memref_slice %arg8[%add3A_36, %dma_start3A_40] : memref<512x64xf32, #tpu.memory_space<vmem>> -> memref<1x64xf32, #tpu.memory_space<vmem>>
      %dma_start3A_42 = arith.constant 0 : i32
      %dma_start3A_43 = tpu.memref_slice %arg4[%squeeze3A, %dma_start3A_42] : memref<1000000x64xf32, #tpu.memory_space<hbm>> -> memref<1x64xf32, #tpu.memory_space<hbm>>
      tpu.enqueue_dma source(%dma_start3A_43 : memref<1x64xf32, #tpu.memory_space<hbm>>) target(%dma_start3A_41 : memref<1x64xf32, #tpu.memory_space<vmem>>) target_semaphore(%arg9 : memref<!tpu.dma_semaphore, #tpu.memory_space<semaphore_mem>>)
      %slice3A_44 = vector.extract_strided_slice %get3A_32 {offsets = [1], sizes = [1], strides = [1]} : vector<16xi32> to vector<1xi32>
      %squeeze3A_45 = vector.extract %slice3A_44[0] : i32 from vector<1xi32>
      %mul3A_46 = arith.constant 16 : i32
      %mul3A_47 = arith.muli %scan3A_27, %mul3A_46 : i32
      %add3A_48 = arith.constant 1 : i32
      %add3A_49 = arith.addi %mul3A_47, %add3A_48 : i32
      %dma_start3A_50 = arith.constant 0 : i32
      %dma_start3A_51 = tpu.memref_slice %arg8[%add3A_49, %dma_start3A_50] : memref<512x64xf32, #tpu.memory_space<vmem>> -> memref<1x64xf32, #tpu.memory_space<vmem>>
      %dma_start3A_52 = arith.constant 0 : i32
      %dma_start3A_53 = tpu.memref_slice %arg4[%squeeze3A_45, %dma_start3A_52] : memref<1000000x64xf32, #tpu.memory_space<hbm>> -> memref<1x64xf32, #tpu.memory_space<hbm>>
      %dma_start3A_54 = arith.constant 0 : i32
      %dma_start3A_55 = tpu.memref_slice %arg8[%add3A_49, %dma_start3A_54] : memref<512x64xf32, #tpu.memory_space<vmem>> -> memref<1x64xf32, #tpu.memory_space<vmem>>
      %dma_start3A_56 = arith.constant 0 : i32
      %dma_start3A_57 = tpu.memref_slice %arg4[%squeeze3A_45, %dma_start3A_56] : memref<1000000x64xf32, #tpu.memory_space<hbm>> -> memref<1x64xf32, #tpu.memory_space<hbm>>
      tpu.enqueue_dma source(%dma_start3A_57 : memref<1x64xf32, #tpu.memory_space<hbm>>) target(%dma_start3A_55 : memref<1x64xf32, #tpu.memory_space<vmem>>) target_semaphore(%arg9 : memref<!tpu.dma_semaphore, #tpu.memory_space<semaphore_mem>>)
      %slice3A_58 = vector.extract_strided_slice %get3A_32 {offsets = [2], sizes = [1], strides = [1]} : vector<16xi32> to vector<1xi32>
      %squeeze3A_59 = vector.extract %slice3A_58[0] : i32 from vector<1xi32>
      %mul3A_60 = arith.constant 16 : i32
      %mul3A_61 = arith.muli %scan3A_27, %mul3A_60 : i32
      %add3A_62 = arith.constant 2 : i32
      %add3A_63 = arith.addi %mul3A_61, %add3A_62 : i32
      %dma_start3A_64 = arith.constant 0 : i32
      %dma_start3A_65 = tpu.memref_slice %arg8[%add3A_63, %dma_start3A_64] : memref<512x64xf32, #tpu.memory_space<vmem>> -> memref<1x64xf32, #tpu.memory_space<vmem>>
      %dma_start3A_66 = arith.constant 0 : i32
      %dma_start3A_67 = tpu.memref_slice %arg4[%squeeze3A_59, %dma_start3A_66] : memref<1000000x64xf32, #tpu.memory_space<hbm>> -> memref<1x64xf32, #tpu.memory_space<hbm>>
      %dma_start3A_68 = arith.constant 0 : i32
      %dma_start3A_69 = tpu.memref_slice %arg8[%add3A_63, %dma_start3A_68] : memref<512x64xf32, #tpu.memory_space<vmem>> -> memref<1x64xf32, #tpu.memory_space<vmem>>
      %dma_start3A_70 = arith.constant 0 : i32
      %dma_start3A_71 = tpu.memref_slice %arg4[%squeeze3A_59, %dma_start3A_70] : memref<1000000x64xf32, #tpu.memory_space<hbm>> -> memref<1x64xf32, #tpu.memory_space<hbm>>
      tpu.enqueue_dma source(%dma_start3A_71 : memref<1x64xf32, #tpu.memory_space<hbm>>) target(%dma_start3A_69 : memref<1x64xf32, #tpu.memory_space<vmem>>) target_semaphore(%arg9 : memref<!tpu.dma_semaphore, #tpu.memory_space<semaphore_mem>>)
      %slice3A_72 = vector.extract_strided_slice %get3A_32 {offsets = [3], sizes = [1], strides = [1]} : vector<16xi32> to vector<1xi32>
      %squeeze3A_73 = vector.extract %slice3A_72[0] : i32 from vector<1xi32>
      %mul3A_74 = arith.constant 16 : i32
      %mul3A_75 = arith.muli %scan3A_27, %mul3A_74 : i32
      %add3A_76 = arith.constant 3 : i32
      %add3A_77 = arith.addi %mul3A_75, %add3A_76 : i32
      %dma_start3A_78 = arith.constant 0 : i32
      %dma_start3A_79 = tpu.memref_slice %arg8[%add3A_77, %dma_start3A_78] : memref<512x64xf32, #tpu.memory_space<vmem>> -> memref<1x64xf32, #tpu.memory_space<vmem>>
      %dma_start3A_80 = arith.constant 0 : i32
      %dma_start3A_81 = tpu.memref_slice %arg4[%squeeze3A_73, %dma_start3A_80] : memref<1000000x64xf32, #tpu.memory_space<hbm>> -> memref<1x64xf32, #tpu.memory_space<hbm>>
      %dma_start3A_82 = arith.constant 0 : i32
      %dma_start3A_83 = tpu.memref_slice %arg8[%add3A_77, %dma_start3A_82] : memref<512x64xf32, #tpu.memory_space<vmem>> -> memref<1x64xf32, #tpu.memory_space<vmem>>
      %dma_start3A_84 = arith.constant 0 : i32
      %dma_start3A_85 = tpu.memref_slice %arg4[%squeeze3A_73, %dma_start3A_84] : memref<1000000x64xf32, #tpu.memory_space<hbm>> -> memref<1x64xf32, #tpu.memory_space<hbm>>
      tpu.enqueue_dma source(%dma_start3A_85 : memref<1x64xf32, #tpu.memory_space<hbm>>) target(%dma_start3A_83 : memref<1x64xf32, #tpu.memory_space<vmem>>) target_semaphore(%arg9 : memref<!tpu.dma_semaphore, #tpu.memory_space<semaphore_mem>>)
      %slice3A_86 = vector.extract_strided_slice %get3A_32 {offsets = [4], sizes = [1], strides = [1]} : vector<16xi32> to vector<1xi32>
      %squeeze3A_87 = vector.extract %slice3A_86[0] : i32 from vector<1xi32>
      %mul3A_88 = arith.constant 16 : i32
      %mul3A_89 = arith.muli %scan3A_27, %mul3A_88 : i32
      %add3A_90 = arith.constant 4 : i32
      %add3A_91 = arith.addi %mul3A_89, %add3A_90 : i32
      %dma_start3A_92 = arith.constant 0 : i32
      %dma_start3A_93 = tpu.memref_slice %arg8[%add3A_91, %dma_start3A_92] : memref<512x64xf32, #tpu.memory_space<vmem>> -> memref<1x64xf32, #tpu.memory_space<vmem>>
      %dma_start3A_94 = arith.constant 0 : i32
      %dma_start3A_95 = tpu.memref_slice %arg4[%squeeze3A_87, %dma_start3A_94] : memref<1000000x64xf32, #tpu.memory_space<hbm>> -> memref<1x64xf32, #tpu.memory_space<hbm>>
      %dma_start3A_96 = arith.constant 0 : i32
      %dma_start3A_97 = tpu.memref_slice %arg8[%add3A_91, %dma_start3A_96] : memref<512x64xf32, #tpu.memory_space<vmem>> -> memref<1x64xf32, #tpu.memory_space<vmem>>
      %dma_start3A_98 = arith.constant 0 : i32
      %dma_start3A_99 = tpu.memref_slice %arg4[%squeeze3A_87, %dma_start3A_98] : memref<1000000x64xf32, #tpu.memory_space<hbm>> -> memref<1x64xf32, #tpu.memory_space<hbm>>
      tpu.enqueue_dma source(%dma_start3A_99 : memref<1x64xf32, #tpu.memory_space<hbm>>) target(%dma_start3A_97 : memref<1x64xf32, #tpu.memory_space<vmem>>) target_semaphore(%arg9 : memref<!tpu.dma_semaphore, #tpu.memory_space<semaphore_mem>>)
      %slice3A_100 = vector.extract_strided_slice %get3A_32 {offsets = [5], sizes = [1], strides = [1]} : vector<16xi32> to vector<1xi32>
      %squeeze3A_101 = vector.extract %slice3A_100[0] : i32 from vector<1xi32>
      %mul3A_102 = arith.constant 16 : i32
      %mul3A_103 = arith.muli %scan3A_27, %mul3A_102 : i32
      %add3A_104 = arith.constant 5 : i32
      %add3A_105 = arith.addi %mul3A_103, %add3A_104 : i32
      %dma_start3A_106 = arith.constant 0 : i32
      %dma_start3A_107 = tpu.memref_slice %arg8[%add3A_105, %dma_start3A_106] : memref<512x64xf32, #tpu.memory_space<vmem>> -> memref<1x64xf32, #tpu.memory_space<vmem>>
      %dma_start3A_108 = arith.constant 0 : i32
      %dma_start3A_109 = tpu.memref_slice %arg4[%squeeze3A_101, %dma_start3A_108] : memref<1000000x64xf32, #tpu.memory_space<hbm>> -> memref<1x64xf32, #tpu.memory_space<hbm>>
      %dma_start3A_110 = arith.constant 0 : i32
      %dma_start3A_111 = tpu.memref_slice %arg8[%add3A_105, %dma_start3A_110] : memref<512x64xf32, #tpu.memory_space<vmem>> -> memref<1x64xf32, #tpu.memory_space<vmem>>
      %dma_start3A_112 = arith.constant 0 : i32
      %dma_start3A_113 = tpu.memref_slice %arg4[%squeeze3A_101, %dma_start3A_112] : memref<1000000x64xf32, #tpu.memory_space<hbm>> -> memref<1x64xf32, #tpu.memory_space<hbm>>
      tpu.enqueue_dma source(%dma_start3A_113 : memref<1x64xf32, #tpu.memory_space<hbm>>) target(%dma_start3A_111 : memref<1x64xf32, #tpu.memory_space<vmem>>) target_semaphore(%arg9 : memref<!tpu.dma_semaphore, #tpu.memory_space<semaphore_mem>>)
      %slice3A_114 = vector.extract_strided_slice %get3A_32 {offsets = [6], sizes = [1], strides = [1]} : vector<16xi32> to vector<1xi32>
      %squeeze3A_115 = vector.extract %slice3A_114[0] : i32 from vector<1xi32>
      %mul3A_116 = arith.constant 16 : i32
      %mul3A_117 = arith.muli %scan3A_27, %mul3A_116 : i32
      %add3A_118 = arith.constant 6 : i32
      %add3A_119 = arith.addi %mul3A_117, %add3A_118 : i32
      %dma_start3A_120 = arith.constant 0 : i32
      %dma_start3A_121 = tpu.memref_slice %arg8[%add3A_119, %dma_start3A_120] : memref<512x64xf32, #tpu.memory_space<vmem>> -> memref<1x64xf32, #tpu.memory_space<vmem>>
      %dma_start3A_122 = arith.constant 0 : i32
      %dma_start3A_123 = tpu.memref_slice %arg4[%squeeze3A_115, %dma_start3A_122] : memref<1000000x64xf32, #tpu.memory_space<hbm>> -> memref<1x64xf32, #tpu.memory_space<hbm>>
      %dma_start3A_124 = arith.constant 0 : i32
      %dma_start3A_125 = tpu.memref_slice %arg8[%add3A_119, %dma_start3A_124] : memref<512x64xf32, #tpu.memory_space<vmem>> -> memref<1x64xf32, #tpu.memory_space<vmem>>
      %dma_start3A_126 = arith.constant 0 : i32
      %dma_start3A_127 = tpu.memref_slice %arg4[%squeeze3A_115, %dma_start3A_126] : memref<1000000x64xf32, #tpu.memory_space<hbm>> -> memref<1x64xf32, #tpu.memory_space<hbm>>
      tpu.enqueue_dma source(%dma_start3A_127 : memref<1x64xf32, #tpu.memory_space<hbm>>) target(%dma_start3A_125 : memref<1x64xf32, #tpu.memory_space<vmem>>) target_semaphore(%arg9 : memref<!tpu.dma_semaphore, #tpu.memory_space<semaphore_mem>>)
      %slice3A_128 = vector.extract_strided_slice %get3A_32 {offsets = [7], sizes = [1], strides = [1]} : vector<16xi32> to vector<1xi32>
      %squeeze3A_129 = vector.extract %slice3A_128[0] : i32 from vector<1xi32>
      %mul3A_130 = arith.constant 16 : i32
      %mul3A_131 = arith.muli %scan3A_27, %mul3A_130 : i32
      %add3A_132 = arith.constant 7 : i32
      %add3A_133 = arith.addi %mul3A_131, %add3A_132 : i32
      %dma_start3A_134 = arith.constant 0 : i32
      %dma_start3A_135 = tpu.memref_slice %arg8[%add3A_133, %dma_start3A_134] : memref<512x64xf32, #tpu.memory_space<vmem>> -> memref<1x64xf32, #tpu.memory_space<vmem>>
      %dma_start3A_136 = arith.constant 0 : i32
      %dma_start3A_137 = tpu.memref_slice %arg4[%squeeze3A_129, %dma_start3A_136] : memref<1000000x64xf32, #tpu.memory_space<hbm>> -> memref<1x64xf32, #tpu.memory_space<hbm>>
      %dma_start3A_138 = arith.constant 0 : i32
      %dma_start3A_139 = tpu.memref_slice %arg8[%add3A_133, %dma_start3A_138] : memref<512x64xf32, #tpu.memory_space<vmem>> -> memref<1x64xf32, #tpu.memory_space<vmem>>
      %dma_start3A_140 = arith.constant 0 : i32
      %dma_start3A_141 = tpu.memref_slice %arg4[%squeeze3A_129, %dma_start3A_140] : memref<1000000x64xf32, #tpu.memory_space<hbm>> -> memref<1x64xf32, #tpu.memory_space<hbm>>
      tpu.enqueue_dma source(%dma_start3A_141 : memref<1x64xf32, #tpu.memory_space<hbm>>) target(%dma_start3A_139 : memref<1x64xf32, #tpu.memory_space<vmem>>) target_semaphore(%arg9 : memref<!tpu.dma_semaphore, #tpu.memory_space<semaphore_mem>>)
      %slice3A_142 = vector.extract_strided_slice %get3A_32 {offsets = [8], sizes = [1], strides = [1]} : vector<16xi32> to vector<1xi32>
      %squeeze3A_143 = vector.extract %slice3A_142[0] : i32 from vector<1xi32>
      %mul3A_144 = arith.constant 16 : i32
      %mul3A_145 = arith.muli %scan3A_27, %mul3A_144 : i32
      %add3A_146 = arith.constant 8 : i32
      %add3A_147 = arith.addi %mul3A_145, %add3A_146 : i32
      %dma_start3A_148 = arith.constant 0 : i32
      %dma_start3A_149 = tpu.memref_slice %arg8[%add3A_147, %dma_start3A_148] : memref<512x64xf32, #tpu.memory_space<vmem>> -> memref<1x64xf32, #tpu.memory_space<vmem>>
      %dma_start3A_150 = arith.constant 0 : i32
      %dma_start3A_151 = tpu.memref_slice %arg4[%squeeze3A_143, %dma_start3A_150] : memref<1000000x64xf32, #tpu.memory_space<hbm>> -> memref<1x64xf32, #tpu.memory_space<hbm>>
      %dma_start3A_152 = arith.constant 0 : i32
      %dma_start3A_153 = tpu.memref_slice %arg8[%add3A_147, %dma_start3A_152] : memref<512x64xf32, #tpu.memory_space<vmem>> -> memref<1x64xf32, #tpu.memory_space<vmem>>
      %dma_start3A_154 = arith.constant 0 : i32
      %dma_start3A_155 = tpu.memref_slice %arg4[%squeeze3A_143, %dma_start3A_154] : memref<1000000x64xf32, #tpu.memory_space<hbm>> -> memref<1x64xf32, #tpu.memory_space<hbm>>
      tpu.enqueue_dma source(%dma_start3A_155 : memref<1x64xf32, #tpu.memory_space<hbm>>) target(%dma_start3A_153 : memref<1x64xf32, #tpu.memory_space<vmem>>) target_semaphore(%arg9 : memref<!tpu.dma_semaphore, #tpu.memory_space<semaphore_mem>>)
      %slice3A_156 = vector.extract_strided_slice %get3A_32 {offsets = [9], sizes = [1], strides = [1]} : vector<16xi32> to vector<1xi32>
      %squeeze3A_157 = vector.extract %slice3A_156[0] : i32 from vector<1xi32>
      %mul3A_158 = arith.constant 16 : i32
      %mul3A_159 = arith.muli %scan3A_27, %mul3A_158 : i32
      %add3A_160 = arith.constant 9 : i32
      %add3A_161 = arith.addi %mul3A_159, %add3A_160 : i32
      %dma_start3A_162 = arith.constant 0 : i32
      %dma_start3A_163 = tpu.memref_slice %arg8[%add3A_161, %dma_start3A_162] : memref<512x64xf32, #tpu.memory_space<vmem>> -> memref<1x64xf32, #tpu.memory_space<vmem>>
      %dma_start3A_164 = arith.constant 0 : i32
      %dma_start3A_165 = tpu.memref_slice %arg4[%squeeze3A_157, %dma_start3A_164] : memref<1000000x64xf32, #tpu.memory_space<hbm>> -> memref<1x64xf32, #tpu.memory_space<hbm>>
      %dma_start3A_166 = arith.constant 0 : i32
      %dma_start3A_167 = tpu.memref_slice %arg8[%add3A_161, %dma_start3A_166] : memref<512x64xf32, #tpu.memory_space<vmem>> -> memref<1x64xf32, #tpu.memory_space<vmem>>
      %dma_start3A_168 = arith.constant 0 : i32
      %dma_start3A_169 = tpu.memref_slice %arg4[%squeeze3A_157, %dma_start3A_168] : memref<1000000x64xf32, #tpu.memory_space<hbm>> -> memref<1x64xf32, #tpu.memory_space<hbm>>
      tpu.enqueue_dma source(%dma_start3A_169 : memref<1x64xf32, #tpu.memory_space<hbm>>) target(%dma_start3A_167 : memref<1x64xf32, #tpu.memory_space<vmem>>) target_semaphore(%arg9 : memref<!tpu.dma_semaphore, #tpu.memory_space<semaphore_mem>>)
      %slice3A_170 = vector.extract_strided_slice %get3A_32 {offsets = [10], sizes = [1], strides = [1]} : vector<16xi32> to vector<1xi32>
      %squeeze3A_171 = vector.extract %slice3A_170[0] : i32 from vector<1xi32>
      %mul3A_172 = arith.constant 16 : i32
      %mul3A_173 = arith.muli %scan3A_27, %mul3A_172 : i32
      %add3A_174 = arith.constant 10 : i32
      %add3A_175 = arith.addi %mul3A_173, %add3A_174 : i32
      %dma_start3A_176 = arith.constant 0 : i32
      %dma_start3A_177 = tpu.memref_slice %arg8[%add3A_175, %dma_start3A_176] : memref<512x64xf32, #tpu.memory_space<vmem>> -> memref<1x64xf32, #tpu.memory_space<vmem>>
      %dma_start3A_178 = arith.constant 0 : i32
      %dma_start3A_179 = tpu.memref_slice %arg4[%squeeze3A_171, %dma_start3A_178] : memref<1000000x64xf32, #tpu.memory_space<hbm>> -> memref<1x64xf32, #tpu.memory_space<hbm>>
      %dma_start3A_180 = arith.constant 0 : i32
      %dma_start3A_181 = tpu.memref_slice %arg8[%add3A_175, %dma_start3A_180] : memref<512x64xf32, #tpu.memory_space<vmem>> -> memref<1x64xf32, #tpu.memory_space<vmem>>
      %dma_start3A_182 = arith.constant 0 : i32
      %dma_start3A_183 = tpu.memref_slice %arg4[%squeeze3A_171, %dma_start3A_182] : memref<1000000x64xf32, #tpu.memory_space<hbm>> -> memref<1x64xf32, #tpu.memory_space<hbm>>
      tpu.enqueue_dma source(%dma_start3A_183 : memref<1x64xf32, #tpu.memory_space<hbm>>) target(%dma_start3A_181 : memref<1x64xf32, #tpu.memory_space<vmem>>) target_semaphore(%arg9 : memref<!tpu.dma_semaphore, #tpu.memory_space<semaphore_mem>>)
      %slice3A_184 = vector.extract_strided_slice %get3A_32 {offsets = [11], sizes = [1], strides = [1]} : vector<16xi32> to vector<1xi32>
      %squeeze3A_185 = vector.extract %slice3A_184[0] : i32 from vector<1xi32>
      %mul3A_186 = arith.constant 16 : i32
      %mul3A_187 = arith.muli %scan3A_27, %mul3A_186 : i32
      %add3A_188 = arith.constant 11 : i32
      %add3A_189 = arith.addi %mul3A_187, %add3A_188 : i32
      %dma_start3A_190 = arith.constant 0 : i32
      %dma_start3A_191 = tpu.memref_slice %arg8[%add3A_189, %dma_start3A_190] : memref<512x64xf32, #tpu.memory_space<vmem>> -> memref<1x64xf32, #tpu.memory_space<vmem>>
      %dma_start3A_192 = arith.constant 0 : i32
      %dma_start3A_193 = tpu.memref_slice %arg4[%squeeze3A_185, %dma_start3A_192] : memref<1000000x64xf32, #tpu.memory_space<hbm>> -> memref<1x64xf32, #tpu.memory_space<hbm>>
      %dma_start3A_194 = arith.constant 0 : i32
      %dma_start3A_195 = tpu.memref_slice %arg8[%add3A_189, %dma_start3A_194] : memref<512x64xf32, #tpu.memory_space<vmem>> -> memref<1x64xf32, #tpu.memory_space<vmem>>
      %dma_start3A_196 = arith.constant 0 : i32
      %dma_start3A_197 = tpu.memref_slice %arg4[%squeeze3A_185, %dma_start3A_196] : memref<1000000x64xf32, #tpu.memory_space<hbm>> -> memref<1x64xf32, #tpu.memory_space<hbm>>
      tpu.enqueue_dma source(%dma_start3A_197 : memref<1x64xf32, #tpu.memory_space<hbm>>) target(%dma_start3A_195 : memref<1x64xf32, #tpu.memory_space<vmem>>) target_semaphore(%arg9 : memref<!tpu.dma_semaphore, #tpu.memory_space<semaphore_mem>>)
      %slice3A_198 = vector.extract_strided_slice %get3A_32 {offsets = [12], sizes = [1], strides = [1]} : vector<16xi32> to vector<1xi32>
      %squeeze3A_199 = vector.extract %slice3A_198[0] : i32 from vector<1xi32>
      %mul3A_200 = arith.constant 16 : i32
      %mul3A_201 = arith.muli %scan3A_27, %mul3A_200 : i32
      %add3A_202 = arith.constant 12 : i32
      %add3A_203 = arith.addi %mul3A_201, %add3A_202 : i32
      %dma_start3A_204 = arith.constant 0 : i32
      %dma_start3A_205 = tpu.memref_slice %arg8[%add3A_203, %dma_start3A_204] : memref<512x64xf32, #tpu.memory_space<vmem>> -> memref<1x64xf32, #tpu.memory_space<vmem>>
      %dma_start3A_206 = arith.constant 0 : i32
      %dma_start3A_207 = tpu.memref_slice %arg4[%squeeze3A_199, %dma_start3A_206] : memref<1000000x64xf32, #tpu.memory_space<hbm>> -> memref<1x64xf32, #tpu.memory_space<hbm>>
      %dma_start3A_208 = arith.constant 0 : i32
      %dma_start3A_209 = tpu.memref_slice %arg8[%add3A_203, %dma_start3A_208] : memref<512x64xf32, #tpu.memory_space<vmem>> -> memref<1x64xf32, #tpu.memory_space<vmem>>
      %dma_start3A_210 = arith.constant 0 : i32
      %dma_start3A_211 = tpu.memref_slice %arg4[%squeeze3A_199, %dma_start3A_210] : memref<1000000x64xf32, #tpu.memory_space<hbm>> -> memref<1x64xf32, #tpu.memory_space<hbm>>
      tpu.enqueue_dma source(%dma_start3A_211 : memref<1x64xf32, #tpu.memory_space<hbm>>) target(%dma_start3A_209 : memref<1x64xf32, #tpu.memory_space<vmem>>) target_semaphore(%arg9 : memref<!tpu.dma_semaphore, #tpu.memory_space<semaphore_mem>>)
      %slice3A_212 = vector.extract_strided_slice %get3A_32 {offsets = [13], sizes = [1], strides = [1]} : vector<16xi32> to vector<1xi32>
      %squeeze3A_213 = vector.extract %slice3A_212[0] : i32 from vector<1xi32>
      %mul3A_214 = arith.constant 16 : i32
      %mul3A_215 = arith.muli %scan3A_27, %mul3A_214 : i32
      %add3A_216 = arith.constant 13 : i32
      %add3A_217 = arith.addi %mul3A_215, %add3A_216 : i32
      %dma_start3A_218 = arith.constant 0 : i32
      %dma_start3A_219 = tpu.memref_slice %arg8[%add3A_217, %dma_start3A_218] : memref<512x64xf32, #tpu.memory_space<vmem>> -> memref<1x64xf32, #tpu.memory_space<vmem>>
      %dma_start3A_220 = arith.constant 0 : i32
      %dma_start3A_221 = tpu.memref_slice %arg4[%squeeze3A_213, %dma_start3A_220] : memref<1000000x64xf32, #tpu.memory_space<hbm>> -> memref<1x64xf32, #tpu.memory_space<hbm>>
      %dma_start3A_222 = arith.constant 0 : i32
      %dma_start3A_223 = tpu.memref_slice %arg8[%add3A_217, %dma_start3A_222] : memref<512x64xf32, #tpu.memory_space<vmem>> -> memref<1x64xf32, #tpu.memory_space<vmem>>
      %dma_start3A_224 = arith.constant 0 : i32
      %dma_start3A_225 = tpu.memref_slice %arg4[%squeeze3A_213, %dma_start3A_224] : memref<1000000x64xf32, #tpu.memory_space<hbm>> -> memref<1x64xf32, #tpu.memory_space<hbm>>
      tpu.enqueue_dma source(%dma_start3A_225 : memref<1x64xf32, #tpu.memory_space<hbm>>) target(%dma_start3A_223 : memref<1x64xf32, #tpu.memory_space<vmem>>) target_semaphore(%arg9 : memref<!tpu.dma_semaphore, #tpu.memory_space<semaphore_mem>>)
      %slice3A_226 = vector.extract_strided_slice %get3A_32 {offsets = [14], sizes = [1], strides = [1]} : vector<16xi32> to vector<1xi32>
      %squeeze3A_227 = vector.extract %slice3A_226[0] : i32 from vector<1xi32>
      %mul3A_228 = arith.constant 16 : i32
      %mul3A_229 = arith.muli %scan3A_27, %mul3A_228 : i32
      %add3A_230 = arith.constant 14 : i32
      %add3A_231 = arith.addi %mul3A_229, %add3A_230 : i32
      %dma_start3A_232 = arith.constant 0 : i32
      %dma_start3A_233 = tpu.memref_slice %arg8[%add3A_231, %dma_start3A_232] : memref<512x64xf32, #tpu.memory_space<vmem>> -> memref<1x64xf32, #tpu.memory_space<vmem>>
      %dma_start3A_234 = arith.constant 0 : i32
      %dma_start3A_235 = tpu.memref_slice %arg4[%squeeze3A_227, %dma_start3A_234] : memref<1000000x64xf32, #tpu.memory_space<hbm>> -> memref<1x64xf32, #tpu.memory_space<hbm>>
      %dma_start3A_236 = arith.constant 0 : i32
      %dma_start3A_237 = tpu.memref_slice %arg8[%add3A_231, %dma_start3A_236] : memref<512x64xf32, #tpu.memory_space<vmem>> -> memref<1x64xf32, #tpu.memory_space<vmem>>
      %dma_start3A_238 = arith.constant 0 : i32
      %dma_start3A_239 = tpu.memref_slice %arg4[%squeeze3A_227, %dma_start3A_238] : memref<1000000x64xf32, #tpu.memory_space<hbm>> -> memref<1x64xf32, #tpu.memory_space<hbm>>
      tpu.enqueue_dma source(%dma_start3A_239 : memref<1x64xf32, #tpu.memory_space<hbm>>) target(%dma_start3A_237 : memref<1x64xf32, #tpu.memory_space<vmem>>) target_semaphore(%arg9 : memref<!tpu.dma_semaphore, #tpu.memory_space<semaphore_mem>>)
      %slice3A_240 = vector.extract_strided_slice %get3A_32 {offsets = [15], sizes = [1], strides = [1]} : vector<16xi32> to vector<1xi32>
      %squeeze3A_241 = vector.extract %slice3A_240[0] : i32 from vector<1xi32>
      %mul3A_242 = arith.constant 16 : i32
      %mul3A_243 = arith.muli %scan3A_27, %mul3A_242 : i32
      %add3A_244 = arith.constant 15 : i32
      %add3A_245 = arith.addi %mul3A_243, %add3A_244 : i32
      %dma_start3A_246 = arith.constant 0 : i32
      %dma_start3A_247 = tpu.memref_slice %arg8[%add3A_245, %dma_start3A_246] : memref<512x64xf32, #tpu.memory_space<vmem>> -> memref<1x64xf32, #tpu.memory_space<vmem>>
      %dma_start3A_248 = arith.constant 0 : i32
      %dma_start3A_249 = tpu.memref_slice %arg4[%squeeze3A_241, %dma_start3A_248] : memref<1000000x64xf32, #tpu.memory_space<hbm>> -> memref<1x64xf32, #tpu.memory_space<hbm>>
      %dma_start3A_250 = arith.constant 0 : i32
      %dma_start3A_251 = tpu.memref_slice %arg8[%add3A_245, %dma_start3A_250] : memref<512x64xf32, #tpu.memory_space<vmem>> -> memref<1x64xf32, #tpu.memory_space<vmem>>
      %dma_start3A_252 = arith.constant 0 : i32
      %dma_start3A_253 = tpu.memref_slice %arg4[%squeeze3A_241, %dma_start3A_252] : memref<1000000x64xf32, #tpu.memory_space<hbm>> -> memref<1x64xf32, #tpu.memory_space<hbm>>
      tpu.enqueue_dma source(%dma_start3A_253 : memref<1x64xf32, #tpu.memory_space<hbm>>) target(%dma_start3A_251 : memref<1x64xf32, #tpu.memory_space<vmem>>) target_semaphore(%arg9 : memref<!tpu.dma_semaphore, #tpu.memory_space<semaphore_mem>>)
      %scan3A_254 = arith.constant 0 : i32
      scf.yield %scan3A_254 : i32
    }
    %scan3A_20 = arith.constant 32 : i32
    %dma_wait3A_21 = arith.constant 0 : i32
    %dma_wait3A_22 = arith.constant 0 : i32
    %dma_wait3A_23 = tpu.memref_slice %arg4[%dma_wait3A_21, %dma_wait3A_22] : memref<1000000x64xf32, #tpu.memory_space<hbm>> -> memref<512x64xf32, #tpu.memory_space<hbm>>
    %dma_wait3A_24 = arith.constant 0 : i32
    %dma_wait3A_25 = arith.constant 0 : i32
    %dma_wait3A_26 = tpu.memref_slice %arg4[%dma_wait3A_24, %dma_wait3A_25] : memref<1000000x64xf32, #tpu.memory_space<hbm>> -> memref<512x64xf32, #tpu.memory_space<hbm>>
    tpu.wait_dma2 semaphore(%arg9 : memref<!tpu.dma_semaphore, #tpu.memory_space<semaphore_mem>>) src(%dma_wait3A_26 : memref<512x64xf32, #tpu.memory_space<hbm>>) dst(%arg8 : memref<512x64xf32, #tpu.memory_space<vmem>>)
    "tpu.region"() ({
      %run_scoped3A = tpu.sem_alloc : memref<!tpu.dma_semaphore, #tpu.memory_space<semaphore_mem>>
      %dma_start3A = arith.constant 0 : i32
      %dma_start3A_27 = tpu.memref_slice %arg6[%mul3A_2, %dma_start3A] : memref<16384x64xf32, #tpu.memory_space<hbm>> -> memref<512x64xf32, #tpu.memory_space<hbm>>
      %dma_start3A_28 = arith.constant 0 : i32
      %dma_start3A_29 = tpu.memref_slice %arg6[%mul3A_2, %dma_start3A_28] : memref<16384x64xf32, #tpu.memory_space<hbm>> -> memref<512x64xf32, #tpu.memory_space<hbm>>
      tpu.enqueue_dma source(%arg8 : memref<512x64xf32, #tpu.memory_space<vmem>>) target(%dma_start3A_29 : memref<512x64xf32, #tpu.memory_space<hbm>>) target_semaphore(%run_scoped3A : memref<!tpu.dma_semaphore, #tpu.memory_space<semaphore_mem>>)
      %dma_wait3A_30 = arith.constant 0 : i32
      %dma_wait3A_31 = tpu.memref_slice %arg6[%mul3A_2, %dma_wait3A_30] : memref<16384x64xf32, #tpu.memory_space<hbm>> -> memref<512x64xf32, #tpu.memory_space<hbm>>
      %dma_wait3A_32 = arith.constant 0 : i32
      %dma_wait3A_33 = tpu.memref_slice %arg6[%mul3A_2, %dma_wait3A_32] : memref<16384x64xf32, #tpu.memory_space<hbm>> -> memref<512x64xf32, #tpu.memory_space<hbm>>
      tpu.wait_dma2 semaphore(%run_scoped3A : memref<!tpu.dma_semaphore, #tpu.memory_space<semaphore_mem>>) src(%arg8 : memref<512x64xf32, #tpu.memory_space<vmem>>) dst(%dma_wait3A_33 : memref<512x64xf32, #tpu.memory_space<hbm>>)
      tpu.yield
    }) : () -> ()
    return
  }
}

module attributes {stable_mosaic.version = 14 : i64} {
  func.func @_proj_body(%arg0: i32, %arg1: memref<2048x64xf32, #tpu.memory_space<vmem>>, %arg2: memref<2048x64xf32, #tpu.memory_space<vmem>>, %arg3: memref<64x64xf32, #tpu.memory_space<vmem>>, %arg4: memref<1x64xf32, #tpu.memory_space<vmem>>, %arg5: memref<64x64xf32, #tpu.memory_space<vmem>>, %arg6: memref<1x64xf32, #tpu.memory_space<vmem>>, %arg7: memref<2048x64xf32, #tpu.memory_space<vmem>>, %arg8: memref<2048x64xf32, #tpu.memory_space<vmem>>) attributes {dimension_semantics = [#tpu.dimension_semantics<arbitrary>], iteration_bounds = array<i64: 8>, scalar_prefetch = 0 : i64, scratch_operands = 0 : i64, tpu.core_type = #tpu.core_type<tc>, window_params = [{transform_indices = @transform_0, window_bounds = array<i64: 2048, 64>}, {transform_indices = @transform_1, window_bounds = array<i64: 2048, 64>}, {pipeline_mode = #tpu.pipeline_mode<synchronous>, transform_indices = @transform_2, window_bounds = array<i64: 64, 64>}, {pipeline_mode = #tpu.pipeline_mode<synchronous>, transform_indices = @transform_3, window_bounds = array<i64: 1, 64>}, {pipeline_mode = #tpu.pipeline_mode<synchronous>, transform_indices = @transform_4, window_bounds = array<i64: 64, 64>}, {pipeline_mode = #tpu.pipeline_mode<synchronous>, transform_indices = @transform_5, window_bounds = array<i64: 1, 64>}, {transform_indices = @transform_6, window_bounds = array<i64: 2048, 64>}, {transform_indices = @transform_7, window_bounds = array<i64: 2048, 64>}]} {
    %get3A = arith.constant 0 : index
    %get3A_0 = arith.constant 0 : index
    %get3A_1 = vector.load %arg1[%get3A, %get3A_0] : memref<2048x64xf32, #tpu.memory_space<vmem>>, vector<2048x64xf32>
    %get3A_2 = arith.constant 0 : index
    %get3A_3 = arith.constant 0 : index
    %get3A_4 = vector.load %arg2[%get3A_2, %get3A_3] : memref<2048x64xf32, #tpu.memory_space<vmem>>, vector<2048x64xf32>
    %get3A_5 = arith.constant 0 : index
    %get3A_6 = arith.constant 0 : index
    %get3A_7 = vector.load %arg3[%get3A_5, %get3A_6] : memref<64x64xf32, #tpu.memory_space<vmem>>, vector<64x64xf32>
    %dot_general3A = arith.constant dense<0.000000e+00> : vector<2048x64xf32>
    %dot_general3A_8 = tpu.matmul %get3A_1, %get3A_7, %dot_general3A {dimension_numbers = #tpu.dot_dimension_numbers<[1], [0], [0], [1], [0, 0, 1, 1], [], []>, transpose_lhs_hint = false} : vector<2048x64xf32>, vector<64x64xf32>, vector<2048x64xf32> -> vector<2048x64xf32>
    %get3A_9 = arith.constant 0 : index
    %get3A_10 = arith.constant 0 : index
    %get3A_11 = vector.load %arg4[%get3A_9, %get3A_10] : memref<1x64xf32, #tpu.memory_space<vmem>>, vector<1x64xf32>
    %add3A = vector.broadcast %get3A_11 : vector<1x64xf32> to vector<2048x64xf32>
    %add3A_12 = arith.addf %dot_general3A_8, %add3A : vector<2048x64xf32>
    %get3A_13 = arith.constant 0 : index
    %get3A_14 = arith.constant 0 : index
    %get3A_15 = vector.load %arg5[%get3A_13, %get3A_14] : memref<64x64xf32, #tpu.memory_space<vmem>>, vector<64x64xf32>
    %dot_general3A_16 = arith.constant dense<0.000000e+00> : vector<2048x64xf32>
    %dot_general3A_17 = tpu.matmul %get3A_4, %get3A_15, %dot_general3A_16 {dimension_numbers = #tpu.dot_dimension_numbers<[1], [0], [0], [1], [0, 0, 1, 1], [], []>, transpose_lhs_hint = false} : vector<2048x64xf32>, vector<64x64xf32>, vector<2048x64xf32> -> vector<2048x64xf32>
    %get3A_18 = arith.constant 0 : index
    %get3A_19 = arith.constant 0 : index
    %get3A_20 = vector.load %arg6[%get3A_18, %get3A_19] : memref<1x64xf32, #tpu.memory_space<vmem>>, vector<1x64xf32>
    %add3A_21 = vector.broadcast %get3A_20 : vector<1x64xf32> to vector<2048x64xf32>
    %add3A_22 = arith.addf %dot_general3A_17, %add3A_21 : vector<2048x64xf32>
    %mul3A = arith.mulf %add3A_12, %add3A_12 : vector<2048x64xf32>
    %reduce_sum3A = arith.constant dense<0.000000e+00> : vector<2048xf32>
    %reduce_sum3A_23 = vector.multi_reduction <add>, %mul3A, %reduce_sum3A [1] : vector<2048x64xf32> to vector<2048xf32>
    %broadcast_in_dim3A = vector.shape_cast %reduce_sum3A_23 : vector<2048xf32> to vector<2048x1xf32>
    %mul3A_24 = arith.mulf %add3A_22, %add3A_22 : vector<2048x64xf32>
    %reduce_sum3A_25 = arith.constant dense<0.000000e+00> : vector<2048xf32>
    %reduce_sum3A_26 = vector.multi_reduction <add>, %mul3A_24, %reduce_sum3A_25 [1] : vector<2048x64xf32> to vector<2048xf32>
    %broadcast_in_dim3A_27 = vector.shape_cast %reduce_sum3A_26 : vector<2048xf32> to vector<2048x1xf32>
    %max3A = arith.constant 1.000000e-24 : f32
    %max3A_28 = vector.broadcast %max3A : f32 to vector<2048x1xf32>
    %max3A_29 = arith.maximumf %broadcast_in_dim3A, %max3A_28 : vector<2048x1xf32>
    %rsqrt3A = math.rsqrt %max3A_29 : vector<2048x1xf32>
    %mul3A_30 = vector.broadcast %rsqrt3A : vector<2048x1xf32> to vector<2048x64xf32>
    %mul3A_31 = arith.mulf %add3A_12, %mul3A_30 : vector<2048x64xf32>
    %swap3A = arith.constant 0 : index
    %swap3A_32 = arith.constant 0 : index
    %swap3A_33 = vector.load %arg7[%swap3A, %swap3A_32] : memref<2048x64xf32, #tpu.memory_space<vmem>>, vector<2048x64xf32>
    tpu.vector_store %arg7[%swap3A, %swap3A_32], %mul3A_31 {strides = array<i32>} : memref<2048x64xf32, #tpu.memory_space<vmem>>, vector<2048x64xf32>,
    %max3A_34 = arith.constant 1.000000e-24 : f32
    %max3A_35 = vector.broadcast %max3A_34 : f32 to vector<2048x1xf32>
    %max3A_36 = arith.maximumf %broadcast_in_dim3A_27, %max3A_35 : vector<2048x1xf32>
    %rsqrt3A_37 = math.rsqrt %max3A_36 : vector<2048x1xf32>
    %mul3A_38 = vector.broadcast %rsqrt3A_37 : vector<2048x1xf32> to vector<2048x64xf32>
    %mul3A_39 = arith.mulf %add3A_22, %mul3A_38 : vector<2048x64xf32>
    %swap3A_40 = arith.constant 0 : index
    %swap3A_41 = arith.constant 0 : index
    %swap3A_42 = vector.load %arg8[%swap3A_40, %swap3A_41] : memref<2048x64xf32, #tpu.memory_space<vmem>>, vector<2048x64xf32>
    tpu.vector_store %arg8[%swap3A_40, %swap3A_41], %mul3A_39 {strides = array<i32>} : memref<2048x64xf32, #tpu.memory_space<vmem>>, vector<2048x64xf32>,
    return
  }
  func.func @transform_0(%arg0: i32) -> (i32, i32) {
    %c0_i32 = arith.constant 0 : i32
    %c0_i32_0 = arith.constant 0 : i32
    return %arg0, %c0_i32 : i32, i32
  }
  func.func @transform_1(%arg0: i32) -> (i32, i32) {
    %c0_i32 = arith.constant 0 : i32
    %c0_i32_0 = arith.constant 0 : i32
    return %arg0, %c0_i32 : i32, i32
  }
  func.func @transform_2(%arg0: i32) -> (i32, i32) {
    %c0_i32 = arith.constant 0 : i32
    %c0_i32_0 = arith.constant 0 : i32
    %c0_i32_1 = arith.constant 0 : i32
    return %c0_i32, %c0_i32_0 : i32, i32
  }
  func.func @transform_3(%arg0: i32) -> (i32, i32) {
    %c0_i32 = arith.constant 0 : i32
    %c0_i32_0 = arith.constant 0 : i32
    %c0_i32_1 = arith.constant 0 : i32
    return %c0_i32, %c0_i32_0 : i32, i32
  }
  func.func @transform_4(%arg0: i32) -> (i32, i32) {
    %c0_i32 = arith.constant 0 : i32
    %c0_i32_0 = arith.constant 0 : i32
    %c0_i32_1 = arith.constant 0 : i32
    return %c0_i32, %c0_i32_0 : i32, i32
  }
  func.func @transform_5(%arg0: i32) -> (i32, i32) {
    %c0_i32 = arith.constant 0 : i32
    %c0_i32_0 = arith.constant 0 : i32
    %c0_i32_1 = arith.constant 0 : i32
    return %c0_i32, %c0_i32_0 : i32, i32
  }
  func.func @transform_6(%arg0: i32) -> (i32, i32) {
    %c0_i32 = arith.constant 0 : i32
    %c0_i32_0 = arith.constant 0 : i32
    return %arg0, %c0_i32 : i32, i32
  }
  func.func @transform_7(%arg0: i32) -> (i32, i32) {
    %c0_i32 = arith.constant 0 : i32
    %c0_i32_0 = arith.constant 0 : i32
    return %arg0, %c0_i32 : i32, i32
  }
}

</mosaic_0001>

<sc_bundles>
// kernel: kernel.4.cloned.1.call-start
scs
__scs_entry_jumppad:
0x0: {  	(pc) =	sbr.rel $0x88, $3  }
0x1: {  	(tag) =	ssettag $0x0;
	lr =	simm.s32 $0x1  }
0x2: {  	[smem:$0x3F9A] =	sst lr;
	_ =	strace $0xD0000000  }
0x3: {  	_ = 	snop  }
0x4: {  	_ = 	snop  }
0x5: {  	_ = 	snop  }
0x6: {  	_ = 	snop  }
0x7: {  	_ = 	snop  }
__scs_overlays_trampoline_lowered:
0x8: {  	[smem:$0x3FA9] =	sst s0  }
0x9: {  	[smem:$0x3FAA] =	sst s1  }
0xa: {  	[smem:$0x3FAB] =	sst s2  }
0xb: {  	[smem:$0x3FAC] =	sst s3  }
0xc: {  	[smem:$0x3FAD] =	sst s4  }
0xd: {  	[smem:$0x3FAE] =	sst s5  }
0xe: {  	[smem:$0x3FAF] =	sst s6  }
0xf: {  	[smem:$0x3FB0] =	sst s7  }
0x10: {  	[smem:$0x3FB1] =	sst s8  }
0x11: {  	[smem:$0x3FB2] =	sst s9;
	s0 =	simm.s32 @!p0 $0x0  }
0x12: {  	s1 =	sld [smem:$0x3F98];
	s0 =	simm.s32 @p0 $0x1  }
0x13: {  	[smem:$0x3FB3] =	sst s0;
	s0 =	simm.s32 @!p1 $0x0  }
0x14: {  	s2 =	sld [smem:$0x3F97];
	s0 =	simm.s32 @p1 $0x1  }
0x15: {  	[smem:$0x3FB4] =	sst s0;
	s0 =	simm.s32 @!p2 $0x0  }
0x16: {  	s3 =	sld [smem:$0x3FDB];
	s0 =	simm.s32 @p2 $0x1  }
0x17: {  	s4 =	simm.s32 $0x1BF5;
	[smem:$0x3FB6] =	sst s0  }
0x18: {  	s0 =	sld [smem:$0x3F99];
	_ =	swait.ge [sflag:s4], $0x0  }
0x19: {  	s7 =	sld [smem:$0x3F9A]  }
0x1a: {  	s8 =	sadd.s32 $0xFFFFE003, lr  }
0x1b: {  	s9 =	sadd.s32 $0xFFFFFEF7, lr;
	s5 =	simm.s32 $0xFFFFFFFF;
	p2 =	slt.u32 s8, $0xFFFFF086  }
0x1c: {  	p1 =	slt.u32 s9, $0xF7A;
	s5 =	simm.s32 @!p2 $0x0  }
0x1d: {  	s5 =	simm.s32 @p1 $0x1;
	p0 =	seq.s32 s7, s2  }
0x1e: {  	s7 =	smul.u32 @!p0 $0xF7A, s2;
	p2 =	seq.s32 @!p0 s5, $0x0  }
0x1f: {  	s9 =	smul.u32 $0xF7A, s1;
	s8 =	simm.s32 @!p0 $0x1BF5;
	p2 =	por !p2, p0  }
0x20: {  	[sflag:s8] =	ssyncset.s32 @!p0 $0xFFFFF086;
	s6 =	sadd.s32 @!p0 s3, s7;
	s7 =	simm.s32 @!p0 $0x108  }
0x21: {  	s3 =	sadd.s32 s3, s9;
	s6 =	sadd.s32 @!p0 $0x88, s6;
	s7 =	simm.s32 @p2 $0x1082  }
0x22: {  	[simem:s7], [sflag:s8] =	dma.local @!p0 [hbm:s6], $0xF7A  }
0x23: {  	s9 =	sor.u32 $0xD0000000, s2;
	s6 =	simm.s32 $0x108;
	_ =	swait.ge @!p0 [sflag:s8], $0x0  }
0x24: {  	s3 =	sadd.s32 $0x88, s3;
	s6 =	simm.s32 @!p1 $0x1082;
	[sflag:s4] =	ssyncset.s32 $0xFFFFF086  }
0x25: {  	[simem:s6], [sflag:s4] =	dma.local [hbm:s3], $0xF7A  }
0x26: {  	[smem:$0x3F9A] =	sst s1;
	(tag) =	ssettag s2;
	_ =	strace s9  }
0x27: {  	s1 =	sld [smem:$0x3FAA]  }
0x28: {  	s2 =	sld [smem:$0x3FAB]  }
0x29: {  	s4 =	sld [smem:$0x3FAD]  }
0x2a: {  	p0 =	seq.s32 s5, $0x0;
	s5 =	sld [smem:$0x3FAE]  }
0x2b: {  	s6 =	sld [smem:$0x3FAF]  }
0x2c: {  	s7 =	sld [smem:$0x3FB0]  }
0x2d: {  	s3 =	simm.s32 $0x108;
	s8 =	sld [smem:$0x3FB1]  }
0x2e: {  	s3 =	simm.s32 @!p0 $0x1082;
	s9 =	sld [smem:$0x3FB2]  }
0x2f: {  	lr =	sadd.s32 s0, s3;
	s0 =	sld [smem:$0x3FA9]  }
0x30: {  	s3 =	sld [smem:$0x3FAC]  }
0x31: {  	[smem:$0x3FB5] =	sst s10  }
0x32: {  	s10 =	sld [smem:$0x3FB3];
	_ =	sdelay $0x3  }
0x33: {  	p0 =	seq.s32 s10, $0x1;
	s10 =	sld [smem:$0x3FB5];
	_ =	sdelay $0x3  }
0x34: {  	[smem:$0x3FB5] =	sst s10  }
0x35: {  	s10 =	sld [smem:$0x3FB4];
	_ =	sdelay $0x3  }
0x36: {  	p1 =	seq.s32 s10, $0x1;
	s10 =	sld [smem:$0x3FB5];
	_ =	sdelay $0x3  }
0x37: {  	[smem:$0x3FB5] =	sst s10  }
0x38: {  	s10 =	sld [smem:$0x3FB6]  }
0x39: {  	_ = 	snop;
	(pc) =	sbr.ind lr, $3  }
0x3a: {  	_ = 	snop  }
0x3b: {  	_ = 	snop  }
0x3c: {  	p2 =	seq.s32 s10, $0x1;
	s10 =	sld [smem:$0x3FB5]  }
0x3d: {  	_ =	shalt  }
0x3e: {  	_ =	shalt  }
0x3f: {  	_ =	shalt  }
0x40: {  	_ =	shalt  }
0x41: {  	_ =	shalt  }
0x42: {  	_ =	shalt  }
0x43: {  	_ =	shalt  }
0x44: {  	_ =	shalt  }
0x45: {  	_ =	shalt  }
0x46: {  	_ =	shalt  }
0x47: {  	_ =	shalt  }
0x48: {  	_ =	shalt  }
0x49: {  	_ =	shalt  }
0x4a: {  	_ =	shalt  }
0x4b: {  	_ =	shalt  }
0x4c: {  	_ =	shalt  }
0x4d: {  	_ =	shalt  }
0x4e: {  	_ =	shalt  }
0x4f: {  	_ =	shalt  }
0x50: {  	_ =	shalt  }
0x51: {  	_ =	shalt  }
0x52: {  	_ =	shalt  }
0x53: {  	_ =	shalt  }
0x54: {  	_ =	shalt  }
0x55: {  	_ =	shalt  }
0x56: {  	_ =	shalt  }
0x57: {  	_ =	shalt  }
0x58: {  	_ =	shalt  }
0x59: {  	_ =	shalt  }
0x5a: {  	_ =	shalt  }
0x5b: {  	_ =	shalt  }
0x5c: {  	_ =	shalt  }
0x5d: {  	_ =	shalt  }
0x5e: {  	_ =	shalt  }
0x5f: {  	_ =	shalt  }
0x60: {  	_ =	shalt  }
0x61: {  	_ =	shalt  }
0x62: {  	_ =	shalt  }
0x63: {  	_ =	shalt  }
0x64: {  	_ =	shalt  }
0x65: {  	_ =	shalt  }
0x66: {  	_ =	shalt  }
0x67: {  	_ =	shalt  }
0x68: {  	_ =	shalt  }
0x69: {  	_ =	shalt  }
0x6a: {  	_ =	shalt  }
0x6b: {  	_ =	shalt  }
0x6c: {  	_ =	shalt  }
0x6d: {  	_ =	shalt  }
0x6e: {  	_ =	shalt  }
0x6f: {  	_ =	shalt  }
0x70: {  	_ =	shalt  }
0x71: {  	_ =	shalt  }
0x72: {  	_ =	shalt  }
0x73: {  	_ =	shalt  }
0x74: {  	_ =	shalt  }
0x75: {  	_ =	shalt  }
0x76: {  	_ =	shalt  }
0x77: {  	_ =	shalt  }
0x78: {  	_ =	shalt  }
0x79: {  	_ =	shalt  }
0x7a: {  	_ =	shalt  }
0x7b: {  	_ =	shalt  }
0x7c: {  	_ =	shalt  }
0x7d: {  	_ =	shalt  }
0x7e: {  	_ =	shalt  }
0x7f: {  	_ =	shalt  }
0x80: {  	_ =	shalt  }
0x81: {  	_ =	shalt  }
0x82: {  	_ =	shalt  }
0x83: {  	_ =	shalt  }
0x84: {  	_ =	shalt  }
0x85: {  	_ =	shalt  }
0x86: {  	_ =	shalt  }
0x87: {  	_ =	shalt  }
.Lfunc_end0:
.L_simem_size_0:
called_computation_lowered:
.L_overlay_start_0:
0x88: {  	s2 =	sld [smem:$0x3FD9]  }
0x89: {  	s3 =	sld [smem:$0x3FFE];
	_ =	sdelay $0x1  }
0x8a: {  	s1 =	srdreg.scid  }
0x8b: {  	s0 =	sand.u32 $0x1, s1  }
0x8c: {  	s17 =	sshll.u32 s0, $0xA;
	s2 =	sadd.s32 s3, s2  }
0x8d: {  	s2 =	sadd.s32 s2, s17  }
0x8e: {  	[smem:$0x3FC1] =	sst s2  }
0x8f: {  	_ = 	snop  }
0x90: {  	s2 =	sld [smem:$0x3FC9]  }
0x91: {  	s18 =	sld [smem:$0x3FC8];
	(tm) =	ssettm $0x1  }
0x92: {  	s4 =	sld [smem:$0x3FFB];
	_ =	sdelay $0x3  }
0x93: {  	_ =	strace s4  }
0x94: {  	s4 =	sld [smem:$0x3FFC];
	_ =	sdelay $0x3  }
0x95: {  	_ =	strace s4  }
0x96: {  	s4 =	sld [smem:$0x3FFD];
	_ =	sdelay $0x3  }
0x97: {  	_ =	strace s4  }
0x98: {  	_ =	strace $0x8FFFFFFF  }
0x99: {  	s19 =	sld [smem:$0x3FDB];
	_ =	sdelay $0x1  }
0x9a: {  	s5 =	simm.s32 $_scs_section_size  }
0x9b: {  	s6 =	simm.s32 $_size__tile_overlayer_lowered;
	s7 =	simm.s32 $_tile_overlayer_lowered  }
0x9c: {  	s22 =	simm.s32 $0x1BFF;
	s21 =	sshll.u32 s7, $0x1;
	s4 =	sadd.s32 s5, s19  }
0x9d: {  	s8 =	simm.s32 $0x0;
	s20 =	sshll.u32 s6, $0x1;
	s6 =	sadd.s32 s21, s4  }
0x9e: {  	[timem:s8], [sflag:s22] =	dma.local [hbm:s6], s20  }
0x9f: {  	_ =	swait.ge [sflag:s22], s20  }
0xa0: {  	s5 =	ssub.s32 $0x0, s20;
	[sflag:s22] =	ssyncset.done $0x0  }
0xa1: {  	[sflag:s22] =	ssyncadd.s32 s5;
	_ =	sdelay $0x1  }
0xa2: {  	s23 =	simm.s32 $0x1B8B  }
0xa3: {  	_ =	swait.ge [sflag:s23], $0x1  }
0xa4: {  	[sflag:s23] =	ssyncset.done $0x0  }
0xa5: {  	s25 =	simm.s32 $0x1B8E;
	s24 =	sld [smem:$0x3FFE];
	[sflag:s23] =	ssyncadd.s32 $0xFFFFFFFF  }
0xa6: {  	s26 =	simm.s32 $execute0_lowered;
	[smem:$0x3FD2] =	sst s25  }
0xa7: {  	s6 =	sshll.u32 s26, $0x1;
	_ =	strace $0x80000046;
	[dreg:$0x1] =	wrdreg $0xFFFFFFFF  }
0xa8: {  	s28 =	simm.s32 $_size_execute0_lowered;
	s4 =	sadd.s32 s4, s6;
	[dreg:$0x0] =	wrdreg $0x0  }
0xa9: {  	s6 =	sshll.u32 s28, $0x1;
	[dreg:$0x2] =	wrdreg s4  }
0xaa: {  	[dreg:$0x3] =	wrdreg s6  }
0xab: {  	[dreg:$0x4] =	wrdreg $0xC0  }
0xac: {  	_ =	task [dreg:s8], $0x5FFFF  }
0xad: {  	[dreg:$0x1] =	wrdreg $0xFFFFFFFF  }
0xae: {  	[dreg:$0x0] =	wrdreg $0x60  }
0xaf: {  	[dreg:$0x2] =	wrdreg s2  }
0xb0: {  	[dreg:$0x3] =	wrdreg s18  }
0xb1: {  	[dreg:$0x4] =	wrdreg s24  }
0xb2: {  	[dreg:$0x5] =	wrdreg $0x9  }
0xb3: {  	_ =	task.clear_ibuf [dreg:s8], $0x6FFFF;
	_ =	strace $0x90000046  }
0xb4: {  	s29 =	simm.s32 $0x9;
	_ =	strace $0x80000048  }
0xb5: {  	_ =	swait.ge [sflag:s29], $0x1  }
0xb6: {  	[sflag:s29] =	ssyncadd.s32 $0xFFFFFFFF  }
0xb7: {  	_ =	strace $0x90000048  }
0xb8: {  	_ =	sfence  }
0xb9: {  	s30 =	sld [smem:$0x0];
	_ =	sdelay $0x2  }
0xba: {  	s31 =	sshll.u32 s1, $0xD;
	s1 =	sshrl.u32 s1, $0x2  }
0xbb: {  	s3 =	sand.u32 $0x4000, s31;
	s1 =	sadd.s32 s1, s30  }
0xbc: {  	s0 =	sor.u32 s3, s0;
	s1 =	sshll.u32 s1, $0x11  }
0xbd: {  	s0 =	sor.u32 s1, s0  }
0xbe: {  	s0 =	sadd.s32 $0x8F2B, s0  }
0xbf: {  	[sflag:s0] =	ssyncadd.remote.s32 $0x1  }
0xc0: {  	_ =	sfence.sel $0xFFFF  }
0xc1: {  	[dreg:$0x0] =	wrdreg $0xFFFFFFFF;
	(pc) =	sbr.abs _section_cstart, $3  }
0xc2: {  	[dreg:$0x1] =	wrdreg $0xFFFFFFFF  }
0xc3: {  	_ =	task.clear_ibuf [dreg:s8], $0x2FFFF;
	_ =	strace $0x9FFFFFFF  }
0xc4: {  	(tm) =	ssettm $0x7FFFFFFF  }
0xc5: {  	_ =	shalt  }
tec
execute0_lowered:
.L_overlay_start_1:
0x0: {  	(tag) =	ssettag $0x1  }
0x1: {  	s4 =	rddreg [dreg:$0x0]  }
0x2: {  	s6 =	rddreg [dreg:$0x1]  }
0x3: {  	s5 =	rddreg [dreg:$0x2];
	s3 =	srdreg.scid  }
0x4: {  	s2 =	simm.s32 $0x0;
	s0 =	stileid.u32;
	s11 =	simm.s32 $0x200  }
0x5: {  	s12 =	simm.s32 $0x0;
	s3 =	sand.u32 $0x1, s3;
	[smem:$0x7FF] =	sst s2  }
0x6: {  	s7 =	sshll.u32 s0, $0xA;
	s8 =	sshll.u32 s3, $0x9;
	s31 =	ssub.s32 $0x2, s3  }
0x7: {  	_ =	strace $0x80000047;
	s7 =	sor.u32 s8, s7;
	s10 =	sshrl.u32 s31, $0x1  }
0x8: {  	s3 =	sadd.s32 $0x1200, s5;
	s9 =	sshll.u32 s7, $0x4;
	s8 =	ssub.s32 s31, s10  }
0x9: {  	s7 =	sshrl.u32 s7, $0x3;
	s10 =	simm.s32 $0x1;
	s9 =	sadd.s32 s9, s5  }
0xa: {  	s4 =	sadd.s32 s4, s7;
	s6 =	sadd.s32 s6, s7;
	s8 =	smax.u32 s8, $0x1  }
0xb: {  	s5 =	sadd.s32 $0xF43600, s9;
	s7 =	sadd.s32 $0xF83600, s9;
	s9 =	simm.s32 $0x2  }
.LBB2_1:
0xc: {  	[tilespmem:s2], [sflag:$0x2] =	stream.linear.gather [hbm4b:s4+s2], $0x200, $0x38;
	[tilespmem:$0x10200] =	vst v63  }
0xd: {  	_ =	swait.ge [sflag:s9], $0x200  }
0xe: {  	[sflag:s9] =	ssyncset.done $0x0  }
0xf: {  	[sflag:s9] =	ssyncadd.s32 $0xFFFFFE00  }
0x10: {  	v0 =	vld [tilespmem:s2+$0x0];
	_ =	sdelay $0x4  }
0x11: {  	v0 =	vshll.u32 v0, $0x4  }
0x12: {  	(v2sf) =	vpush v0, $0x0  }
0x13: {  	(v2sf) =	vpush v0, $0x1  }
0x14: {  	(v2sf) =	vpush v0, $0x2;
	_ =	sdelay $0x1  }
0x15: {  	(v2sf) =	vpush v0, $0x4;
	_ =	sdelay $0x1  }
0x16: {  	(v2sf) =	vpush v0, $0x3  }
0x17: {  	(v2sf) =	vpush v0, $0x5  }
0x18: {  	s14 =	simm.s32 $0x2000;
	s13 =	simm.s32 $0x0;
	s15 =	simm.s32 $0x0;
	(v2sf) =	vpush v0, $0x6  }
.LBB2_2:
0x19: {  	p0 =	sne.s32 s14, $0x3E000  }
0x1a: {  	s25 =	sadd.s32 $0x280, s13;
	s19 =	sadd.s32 $0x780, s13;
	s16 =	smov.u32 s14  }
0x1b: {  	s14 =	sadd.s32 $0x2000, s14;
	s22 =	sadd.s32 $0x580, s13;
	s17 =	sadd.s32 $0x800, s13;
	(v2sf) =	vpush v0, $0x7  }
0x1c: {  	s24 =	sadd.s32 $0x480, s13;
	s21 =	sadd.s32 $0x600, s13;
	s18 =	sadd.s32 $0x880, s13  }
0x1d: {  	s26 =	sadd.s32 $0x200, s13;
	s28 =	sadd.s32 $0x400, s13;
	(v2sf) =	vpush v0, $0x8  }
0x1e: {  	s29 =	sadd.s32 $0x500, s13;
	s15 =	sadd.s32 $0x10, s15  }
0x1f: {  	s30 =	sadd.s32 $0x300, s13;
	s20 =	sadd.s32 $0x700, s13;
	s23 =	spop (v2sf);
	(v2sf) =	vpush v0, $0x9  }
0x20: {  	s31 =	sand.u32 $0x1FFFFFF0, s23;
	s23 =	sadd.s32 $0x680, s13;
	s0 =	spop (v2sf)  }
0x21: {  	s31 =	sadd.s32 s3, s31;
	s0 =	sand.u32 $0x1FFFFFF0, s0;
	s1 =	spop (v2sf);
	(v2sf) =	vpush v0, $0xA  }
0x22: {  	[tilespmem:s26], [sflag:$0x1] =	stream.linear.gather [hbm4b:s31+s2], $0x80, $0x38;
	[tilespmem:$0x10200] =	vst v63  }
0x23: {  	s0 =	sadd.s32 s3, s0;
	s26 =	sadd.s32 $0x380, s13;
	s31 =	spop (v2sf);
	(v2sf) =	vpush v0, $0xB  }
0x24: {  	[tilespmem:s25], [sflag:$0x1] =	stream.linear.gather [hbm4b:s0+s2], $0x80, $0x38;
	[tilespmem:$0x10200] =	vst v63  }
0x25: {  	s0 =	sand.u32 $0x1FFFFFF0, s1;
	s1 =	sand.u32 $0x1FFFFFF0, s31;
	s25 =	spop (v2sf);
	(v2sf) =	vpush v0, $0xC  }
0x26: {  	s0 =	sadd.s32 s3, s0;
	s25 =	sand.u32 $0x1FFFFFF0, s25;
	s31 =	spop (v2sf)  }
0x27: {  	[tilespmem:s30], [sflag:$0x1] =	stream.linear.gather [hbm4b:s0+s2], $0x80, $0x38;
	(v2sf) =	vpush v0, $0xD;
	[tilespmem:$0x10200] =	vst v63  }
0x28: {  	s0 =	sadd.s32 s3, s25;
	s25 =	sand.u32 $0x1FFFFFF0, s31;
	s30 =	spop (v2sf)  }
0x29: {  	[tilespmem:s26], [sflag:$0x1] =	stream.linear.gather [hbm4b:s0+s2], $0x80, $0x38;
	(v2sf) =	vpush v0, $0xE;
	[tilespmem:$0x10200] =	vst v63  }
0x2a: {  	s0 =	sadd.s32 s3, s1;
	s1 =	sand.u32 $0x1FFFFFF0, s30;
	s26 =	spop (v2sf)  }
0x2b: {  	[tilespmem:s28], [sflag:$0x1] =	stream.linear.gather [hbm4b:s0+s2], $0x80, $0x38;
	(v2sf) =	vpush v0, $0xF;
	[tilespmem:$0x10200] =	vst v63  }
0x2c: {  	s0 =	sadd.s32 s3, s25;
	s25 =	sand.u32 $0x1FFFFFF0, s26;
	s26 =	spop (v2sf)  }
0x2d: {  	[tilespmem:s24], [sflag:$0x1] =	stream.linear.gather [hbm4b:s0+s2], $0x80, $0x38;
	[tilespmem:$0x10200] =	vst v63  }
0x2e: {  	s0 =	sadd.s32 s3, s1;
	s1 =	sand.u32 $0x1FFFFFF0, s26;
	s24 =	spop (v2sf)  }
0x2f: {  	[tilespmem:s29], [sflag:$0x1] =	stream.linear.gather [hbm4b:s0+s2], $0x80, $0x38;
	[tilespmem:$0x10200] =	vst v63  }
0x30: {  	s0 =	sadd.s32 s3, s25;
	s24 =	sand.u32 $0x1FFFFFF0, s24;
	s25 =	spop (v2sf)  }
0x31: {  	[tilespmem:s22], [sflag:$0x1] =	stream.linear.gather [hbm4b:s0+s2], $0x80, $0x38;
	[tilespmem:$0x10200] =	vst v63  }
0x32: {  	s0 =	sadd.s32 s3, s1;
	s1 =	sand.u32 $0x1FFFFFF0, s25;
	s22 =	spop (v2sf)  }
0x33: {  	[tilespmem:s21], [sflag:$0x1] =	stream.linear.gather [hbm4b:s0+s2], $0x80, $0x38;
	[tilespmem:$0x10200] =	vst v63  }
0x34: {  	s0 =	sadd.s32 s3, s24;
	s21 =	sand.u32 $0x1FFFFFF0, s22;
	s22 =	spop (v2sf)  }
0x35: {  	[tilespmem:s23], [sflag:$0x1] =	stream.linear.gather [hbm4b:s0+s2], $0x80, $0x38;
	[tilespmem:$0x10200] =	vst v63  }
0x36: {  	s0 =	sadd.s32 s3, s1;
	s1 =	sand.u32 $0x1FFFFFF0, s22;
	s22 =	spop (v2sf)  }
0x37: {  	[tilespmem:s20], [sflag:$0x1] =	stream.linear.gather [hbm4b:s0+s2], $0x80, $0x38;
	[tilespmem:$0x10200] =	vst v63  }
0x38: {  	s0 =	sadd.s32 s3, s21;
	s20 =	sand.u32 $0x1FFFFFF0, s22;
	s21 =	spop (v2sf)  }
0x39: {  	[tilespmem:s19], [sflag:$0x1] =	stream.linear.gather [hbm4b:s0+s2], $0x80, $0x38;
	[tilespmem:$0x10200] =	vst v63  }
0x3a: {  	s0 =	sadd.s32 s3, s1;
	s1 =	sand.u32 $0x1FFFFFF0, s21;
	s19 =	spop (v2sf)  }
0x3b: {  	[tilespmem:s17], [sflag:$0x1] =	stream.linear.gather [hbm4b:s0+s2], $0x80, $0x38;
	[tilespmem:$0x10200] =	vst v63  }
0x3c: {  	s0 =	sadd.s32 s3, s20;
	s17 =	sand.u32 $0x1FFFFFF0, s19  }
0x3d: {  	[tilespmem:s18], [sflag:$0x1] =	stream.linear.gather [hbm4b:s0+s2], $0x80, $0x38;
	[tilespmem:$0x10200] =	vst v63  }
0x3e: {  	s1 =	sadd.s32 s3, s1;
	s0 =	sadd.s32 $0x900, s13  }
0x3f: {  	[tilespmem:s0], [sflag:$0x1] =	stream.linear.gather [hbm4b:s1+s2], $0x80, $0x38;
	[tilespmem:$0x10200] =	vst v63  }
0x40: {  	s0 =	sadd.s32 $0x980, s13;
	s1 =	sadd.s32 s3, s17  }
0x41: {  	[tilespmem:s0], [sflag:$0x1] =	stream.linear.gather [hbm4b:s1+s2], $0x80, $0x38;
	[tilespmem:$0x10200] =	vst v63  }
0x42: {  	v0 =	vld [tilespmem:s15+$0x0];
	_ =	sdelay $0x4  }
0x43: {  	v0 =	vshll.u32 v0, $0x4  }
0x44: {  	(v2sf) =	vpush v0, $0x0  }
0x45: {  	(v2sf) =	vpush v0, $0x1  }
0x46: {  	(v2sf) =	vpush v0, $0x2;
	_ =	sdelay $0x1  }
0x47: {  	(v2sf) =	vpush v0, $0x4  }
.Ltmp0:
0x48: {  	(pc) =	sbr.rel @p0 .LBB2_2-.Ltmp0, $3  }
0x49: {  	(v2sf) =	vpush v0, $0x3  }
0x4a: {  	(v2sf) =	vpush v0, $0x5;
	_ =	sdelay $0x1  }
0x4b: {  	s13 =	sshra.s32 s16, $0x2;
	(v2sf) =	vpush v0, $0x6  }
0x4c: {  	_ =	sdelay $0x1  }
0x4d: {  	s0 =	sadd.s32 $0x280, s13;
	s16 =	sadd.s32 $0x780, s13  }
0x4e: {  	s1 =	sadd.s32 $0x580, s13;
	s14 =	sadd.s32 $0x800, s13;
	(v2sf) =	vpush v0, $0x7;
	s17 =	sadd.s32 $0x480, s13  }
0x4f: {  	s18 =	sadd.s32 $0x600, s13;
	s15 =	sadd.s32 $0x880, s13;
	s19 =	sadd.s32 $0x200, s13  }
0x50: {  	s20 =	sadd.s32 $0x400, s13;
	s21 =	sadd.s32 $0x500, s13;
	(v2sf) =	vpush v0, $0x8;
	s22 =	spop (v2sf)  }
0x51: {  	s23 =	sadd.s32 $0x300, s13;
	s22 =	sand.u32 $0x1FFFFFF0, s22;
	s24 =	spop (v2sf)  }
0x52: {  	(v2sf) =	vpush v0, $0x9;
	s22 =	sadd.s32 s3, s22;
	s24 =	sand.u32 $0x1FFFFFF0, s24;
	s25 =	spop (v2sf)  }
0x53: {  	[tilespmem:s19], [sflag:$0x1] =	stream.linear.gather [hbm4b:s22+s2], $0x80, $0x38;
	[tilespmem:$0x10200] =	vst v63  }
0x54: {  	(v2sf) =	vpush v0, $0xA;
	s26 =	sadd.s32 s3, s24;
	s29 =	sand.u32 $0x1FFFFFF0, s25;
	s28 =	spop (v2sf)  }
0x55: {  	[tilespmem:s0], [sflag:$0x1] =	stream.linear.gather [hbm4b:s26+s2], $0x80, $0x38;
	[tilespmem:$0x10200] =	vst v63  }
0x56: {  	s19 =	sadd.s32 $0x700, s13;
	(v2sf) =	vpush v0, $0xB;
	s22 =	sadd.s32 s3, s29;
	s30 =	spop (v2sf)  }
0x57: {  	s0 =	sadd.s32 $0x680, s13;
	s26 =	sadd.s32 $0x380, s13;
	s25 =	sand.u32 $0x1FFFFFF0, s30  }
0x58: {  	(v2sf) =	vpush v0, $0xC;
	[tilespmem:s23], [sflag:$0x1] =	stream.linear.gather [hbm4b:s22+s2], $0x80, $0x38;
	[tilespmem:$0x10200] =	vst v63  }
0x59: {  	s31 =	sand.u32 $0x1FFFFFF0, s28;
	s28 =	spop (v2sf);
	s29 =	sadd.s32 s3, s25  }
0x5a: {  	(v2sf) =	vpush v0, $0xD;
	[tilespmem:s26], [sflag:$0x1] =	stream.linear.gather [hbm4b:s29+s2], $0x80, $0x38;
	[tilespmem:$0x10200] =	vst v63  }
0x5b: {  	s22 =	sadd.s32 s3, s31;
	s23 =	sand.u32 $0x1FFFFFF0, s28;
	s30 =	spop (v2sf)  }
0x5c: {  	(v2sf) =	vpush v0, $0xE;
	[tilespmem:s20], [sflag:$0x1] =	stream.linear.gather [hbm4b:s22+s2], $0x80, $0x38;
	[tilespmem:$0x10200] =	vst v63  }
0x5d: {  	s23 =	sadd.s32 s3, s23;
	s31 =	sand.u32 $0x1FFFFFF0, s30;
	s24 =	spop (v2sf)  }
0x5e: {  	(v2sf) =	vpush v0, $0xF;
	[tilespmem:s17], [sflag:$0x1] =	stream.linear.gather [hbm4b:s23+s2], $0x80, $0x38;
	[tilespmem:$0x10200] =	vst v63  }
0x5f: {  	s25 =	sand.u32 $0x1FFFFFF0, s24;
	s26 =	spop (v2sf);
	s20 =	sadd.s32 s3, s31  }
0x60: {  	[tilespmem:s21], [sflag:$0x1] =	stream.linear.gather [hbm4b:s20+s2], $0x80, $0x38;
	[tilespmem:$0x10200] =	vst v63  }
0x61: {  	s28 =	sand.u32 $0x1FFFFFF0, s26;
	s17 =	sadd.s32 s3, s25;
	s29 =	spop (v2sf)  }
0x62: {  	[tilespmem:s1], [sflag:$0x1] =	stream.linear.gather [hbm4b:s17+s2], $0x80, $0x38;
	[tilespmem:$0x10200] =	vst v63  }
0x63: {  	s20 =	sadd.s32 s3, s28;
	s30 =	sand.u32 $0x1FFFFFF0, s29;
	s31 =	spop (v2sf)  }
0x64: {  	[tilespmem:s18], [sflag:$0x1] =	stream.linear.gather [hbm4b:s20+s2], $0x80, $0x38;
	[tilespmem:$0x10200] =	vst v63  }
0x65: {  	s17 =	sand.u32 $0x1FFFFFF0, s31;
	s1 =	sadd.s32 s3, s30;
	s20 =	spop (v2sf)  }
0x66: {  	[tilespmem:s0], [sflag:$0x1] =	stream.linear.gather [hbm4b:s1+s2], $0x80, $0x38;
	[tilespmem:$0x10200] =	vst v63  }
0x67: {  	s17 =	sadd.s32 s3, s17;
	s21 =	sand.u32 $0x1FFFFFF0, s20;
	s22 =	spop (v2sf)  }
0x68: {  	[tilespmem:s19], [sflag:$0x1] =	stream.linear.gather [hbm4b:s17+s2], $0x80, $0x38;
	[tilespmem:$0x10200] =	vst v63  }
0x69: {  	s0 =	sadd.s32 s3, s21;
	s1 =	sand.u32 $0x1FFFFFF0, s22;
	s23 =	spop (v2sf)  }
0x6a: {  	[tilespmem:s16], [sflag:$0x1] =	stream.linear.gather [hbm4b:s0+s2], $0x80, $0x38;
	[tilespmem:$0x10200] =	vst v63  }
0x6b: {  	s24 =	sand.u32 $0x1FFFFFF0, s23;
	s1 =	sadd.s32 s3, s1;
	s25 =	spop (v2sf)  }
0x6c: {  	[tilespmem:s14], [sflag:$0x1] =	stream.linear.gather [hbm4b:s1+s2], $0x80, $0x38;
	[tilespmem:$0x10200] =	vst v63  }
0x6d: {  	s26 =	sand.u32 $0x1FFFFFF0, s25;
	s28 =	spop (v2sf);
	s0 =	sadd.s32 s3, s24  }
0x6e: {  	[tilespmem:s15], [sflag:$0x1] =	stream.linear.gather [hbm4b:s0+s2], $0x80, $0x38;
	[tilespmem:$0x10200] =	vst v63  }
0x6f: {  	s30 =	sadd.s32 $0x900, s13;
	s29 =	sand.u32 $0x1FFFFFF0, s28;
	s1 =	sadd.s32 s3, s26  }
0x70: {  	[tilespmem:s30], [sflag:$0x1] =	stream.linear.gather [hbm4b:s1+s2], $0x80, $0x38;
	[tilespmem:$0x10200] =	vst v63  }
0x71: {  	s31 =	sadd.s32 $0x980, s13;
	s0 =	sadd.s32 s3, s29  }
0x72: {  	[tilespmem:s31], [sflag:$0x1] =	stream.linear.gather [hbm4b:s0+s2], $0x80, $0x38;
	[tilespmem:$0x10200] =	vst v63  }
0x73: {  	_ =	swait.ge [sflag:s10], $0x10000  }
0x74: {  	[sflag:s10] =	ssyncset.done $0x0  }
0x75: {  	s14 =	simm.s32 $0x0;
	[sflag:s10] =	ssyncadd.s32 $0xFFFF0000  }
0x76: {  	[hbm4b:s5+s14] =	stream.linear.scatter [tilespmem:s11], [sflag:$0x2], $0x10000, $0x38;
	[tilespmem:$0x10200] =	vst v63  }
0x77: {  	_ =	swait.ge [sflag:s9], $0x10000  }
0x78: {  	[sflag:s9] =	ssyncset.done $0x0  }
0x79: {  	[sflag:s9] =	ssyncadd.s32 $0xFFFF0000  }
0x7a: {  	[tilespmem:s14], [sflag:$0x2] =	stream.linear.gather [hbm4b:s6+s14], $0x200, $0x38;
	[tilespmem:$0x10200] =	vst v63  }
0x7b: {  	_ =	swait.ge [sflag:s9], $0x200  }
0x7c: {  	[sflag:s9] =	ssyncset.done $0x0  }
0x7d: {  	[sflag:s9] =	ssyncadd.s32 $0xFFFFFE00  }
0x7e: {  	v0 =	vld [tilespmem:s14+$0x0];
	_ =	sdelay $0x4  }
0x7f: {  	v0 =	vshll.u32 v0, $0x4  }
0x80: {  	(v2sf) =	vpush v0, $0x0  }
0x81: {  	(v2sf) =	vpush v0, $0x1  }
0x82: {  	(v2sf) =	vpush v0, $0x2;
	_ =	sdelay $0x1  }
0x83: {  	(v2sf) =	vpush v0, $0x4;
	_ =	sdelay $0x1  }
0x84: {  	(v2sf) =	vpush v0, $0x3  }
0x85: {  	(v2sf) =	vpush v0, $0x5  }
0x86: {  	s13 =	simm.s32 $0x0;
	s15 =	simm.s32 $0x2000;
	(v2sf) =	vpush v0, $0x6  }
.LBB2_4:
0x87: {  	p0 =	sne.s32 s15, $0x3E000  }
0x88: {  	s0 =	sadd.s32 $0x280, s13;
	s19 =	sadd.s32 $0x780, s13;
	s16 =	smov.u32 s15  }
0x89: {  	s15 =	sadd.s32 $0x2000, s15;
	s22 =	sadd.s32 $0x580, s13;
	s17 =	sadd.s32 $0x800, s13;
	(v2sf) =	vpush v0, $0x7  }
0x8a: {  	s24 =	sadd.s32 $0x480, s13;
	s21 =	sadd.s32 $0x600, s13;
	s18 =	sadd.s32 $0x880, s13  }
0x8b: {  	s1 =	sadd.s32 $0x200, s13;
	s25 =	sadd.s32 $0x400, s13;
	(v2sf) =	vpush v0, $0x8  }
0x8c: {  	s26 =	sadd.s32 $0x500, s13;
	s14 =	sadd.s32 $0x10, s14  }
0x8d: {  	s28 =	sadd.s32 $0x300, s13;
	s20 =	sadd.s32 $0x700, s13;
	s23 =	spop (v2sf);
	(v2sf) =	vpush v0, $0x9  }
0x8e: {  	s29 =	sand.u32 $0x1FFFFFF0, s23;
	s23 =	sadd.s32 $0x680, s13;
	s30 =	spop (v2sf)  }
0x8f: {  	s29 =	sadd.s32 s3, s29;
	s30 =	sand.u32 $0x1FFFFFF0, s30;
	s31 =	spop (v2sf);
	(v2sf) =	vpush v0, $0xA  }
0x90: {  	[tilespmem:s1], [sflag:$0x1] =	stream.linear.gather [hbm4b:s29+s2], $0x80, $0x38;
	[tilespmem:$0x10200] =	vst v63  }
0x91: {  	s1 =	sadd.s32 s3, s30;
	s29 =	sadd.s32 $0x380, s13;
	s30 =	spop (v2sf);
	(v2sf) =	vpush v0, $0xB  }
0x92: {  	[tilespmem:s0], [sflag:$0x1] =	stream.linear.gather [hbm4b:s1+s2], $0x80, $0x38;
	[tilespmem:$0x10200] =	vst v63  }
0x93: {  	s0 =	sand.u32 $0x1FFFFFF0, s31;
	s1 =	sand.u32 $0x1FFFFFF0, s30;
	s30 =	spop (v2sf);
	(v2sf) =	vpush v0, $0xC  }
0x94: {  	s0 =	sadd.s32 s3, s0;
	s30 =	sand.u32 $0x1FFFFFF0, s30;
	s31 =	spop (v2sf)  }
0x95: {  	[tilespmem:s28], [sflag:$0x1] =	stream.linear.gather [hbm4b:s0+s2], $0x80, $0x38;
	(v2sf) =	vpush v0, $0xD;
	[tilespmem:$0x10200] =	vst v63  }
0x96: {  	s0 =	sadd.s32 s3, s30;
	s28 =	sand.u32 $0x1FFFFFF0, s31;
	s30 =	spop (v2sf)  }
0x97: {  	[tilespmem:s29], [sflag:$0x1] =	stream.linear.gather [hbm4b:s0+s2], $0x80, $0x38;
	(v2sf) =	vpush v0, $0xE;
	[tilespmem:$0x10200] =	vst v63  }
0x98: {  	s0 =	sadd.s32 s3, s1;
	s1 =	sand.u32 $0x1FFFFFF0, s30;
	s29 =	spop (v2sf)  }
0x99: {  	[tilespmem:s25], [sflag:$0x1] =	stream.linear.gather [hbm4b:s0+s2], $0x80, $0x38;
	(v2sf) =	vpush v0, $0xF;
	[tilespmem:$0x10200] =	vst v63  }
0x9a: {  	s0 =	sadd.s32 s3, s28;
	s25 =	sand.u32 $0x1FFFFFF0, s29;
	s28 =	spop (v2sf)  }
0x9b: {  	[tilespmem:s24], [sflag:$0x1] =	stream.linear.gather [hbm4b:s0+s2], $0x80, $0x38;
	[tilespmem:$0x10200] =	vst v63  }
0x9c: {  	s0 =	sadd.s32 s3, s1;
	s1 =	sand.u32 $0x1FFFFFF0, s28;
	s24 =	spop (v2sf)  }
0x9d: {  	[tilespmem:s26], [sflag:$0x1] =	stream.linear.gather [hbm4b:s0+s2], $0x80, $0x38;
	[tilespmem:$0x10200] =	vst v63  }
0x9e: {  	s0 =	sadd.s32 s3, s25;
	s24 =	sand.u32 $0x1FFFFFF0, s24;
	s25 =	spop (v2sf)  }
0x9f: {  	[tilespmem:s22], [sflag:$0x1] =	stream.linear.gather [hbm4b:s0+s2], $0x80, $0x38;
	[tilespmem:$0x10200] =	vst v63  }
0xa0: {  	s0 =	sadd.s32 s3, s1;
	s1 =	sand.u32 $0x1FFFFFF0, s25;
	s22 =	spop (v2sf)  }
0xa1: {  	[tilespmem:s21], [sflag:$0x1] =	stream.linear.gather [hbm4b:s0+s2], $0x80, $0x38;
	[tilespmem:$0x10200] =	vst v63  }
0xa2: {  	s0 =	sadd.s32 s3, s24;
	s21 =	sand.u32 $0x1FFFFFF0, s22;
	s22 =	spop (v2sf)  }
0xa3: {  	[tilespmem:s23], [sflag:$0x1] =	stream.linear.gather [hbm4b:s0+s2], $0x80, $0x38;
	[tilespmem:$0x10200] =	vst v63  }
0xa4: {  	s0 =	sadd.s32 s3, s1;
	s1 =	sand.u32 $0x1FFFFFF0, s22;
	s22 =	spop (v2sf)  }
0xa5: {  	[tilespmem:s20], [sflag:$0x1] =	stream.linear.gather [hbm4b:s0+s2], $0x80, $0x38;
	[tilespmem:$0x10200] =	vst v63  }
0xa6: {  	s0 =	sadd.s32 s3, s21;
	s20 =	sand.u32 $0x1FFFFFF0, s22;
	s21 =	spop (v2sf)  }
0xa7: {  	[tilespmem:s19], [sflag:$0x1] =	stream.linear.gather [hbm4b:s0+s2], $0x80, $0x38;
	[tilespmem:$0x10200] =	vst v63  }
0xa8: {  	s0 =	sadd.s32 s3, s1;
	s1 =	sand.u32 $0x1FFFFFF0, s21;
	s19 =	spop (v2sf)  }
0xa9: {  	[tilespmem:s17], [sflag:$0x1] =	stream.linear.gather [hbm4b:s0+s2], $0x80, $0x38;
	[tilespmem:$0x10200] =	vst v63  }
0xaa: {  	s0 =	sadd.s32 s3, s20;
	s17 =	sand.u32 $0x1FFFFFF0, s19  }
0xab: {  	[tilespmem:s18], [sflag:$0x1] =	stream.linear.gather [hbm4b:s0+s2], $0x80, $0x38;
	[tilespmem:$0x10200] =	vst v63  }
0xac: {  	s1 =	sadd.s32 s3, s1;
	s0 =	sadd.s32 $0x900, s13  }
0xad: {  	[tilespmem:s0], [sflag:$0x1] =	stream.linear.gather [hbm4b:s1+s2], $0x80, $0x38;
	[tilespmem:$0x10200] =	vst v63  }
0xae: {  	s0 =	sadd.s32 $0x980, s13;
	s1 =	sadd.s32 s3, s17  }
0xaf: {  	[tilespmem:s0], [sflag:$0x1] =	stream.linear.gather [hbm4b:s1+s2], $0x80, $0x38;
	[tilespmem:$0x10200] =	vst v63  }
0xb0: {  	v0 =	vld [tilespmem:s14+$0x0];
	_ =	sdelay $0x4  }
0xb1: {  	v0 =	vshll.u32 v0, $0x4  }
0xb2: {  	(v2sf) =	vpush v0, $0x0  }
0xb3: {  	(v2sf) =	vpush v0, $0x1  }
0xb4: {  	(v2sf) =	vpush v0, $0x2;
	_ =	sdelay $0x1  }
0xb5: {  	(v2sf) =	vpush v0, $0x4  }
.Ltmp1:
0xb6: {  	(pc) =	sbr.rel @p0 .LBB2_4-.Ltmp1, $3  }
0xb7: {  	(v2sf) =	vpush v0, $0x3  }
0xb8: {  	(v2sf) =	vpush v0, $0x5;
	_ =	sdelay $0x1  }
0xb9: {  	s13 =	sshra.s32 s16, $0x2;
	(v2sf) =	vpush v0, $0x6  }
0xba: {  	_ =	sdelay $0x1  }
0xbb: {  	s0 =	sadd.s32 $0x280, s13;
	s16 =	sadd.s32 $0x780, s13  }
0xbc: {  	s1 =	sadd.s32 $0x580, s13;
	s14 =	sadd.s32 $0x800, s13;
	(v2sf) =	vpush v0, $0x7;
	s17 =	sadd.s32 $0x480, s13  }
0xbd: {  	s18 =	sadd.s32 $0x600, s13;
	s15 =	sadd.s32 $0x880, s13;
	s19 =	sadd.s32 $0x200, s13  }
0xbe: {  	s20 =	sadd.s32 $0x400, s13;
	s21 =	sadd.s32 $0x500, s13;
	(v2sf) =	vpush v0, $0x8;
	s22 =	spop (v2sf)  }
0xbf: {  	s23 =	sadd.s32 $0x300, s13;
	s22 =	sand.u32 $0x1FFFFFF0, s22;
	s24 =	spop (v2sf)  }
0xc0: {  	(v2sf) =	vpush v0, $0x9;
	s22 =	sadd.s32 s3, s22;
	s24 =	sand.u32 $0x1FFFFFF0, s24;
	s25 =	spop (v2sf)  }
0xc1: {  	[tilespmem:s19], [sflag:$0x1] =	stream.linear.gather [hbm4b:s22+s2], $0x80, $0x38;
	[tilespmem:$0x10200] =	vst v63  }
0xc2: {  	(v2sf) =	vpush v0, $0xA;
	s26 =	sadd.s32 s3, s24;
	s29 =	sand.u32 $0x1FFFFFF0, s25;
	s28 =	spop (v2sf)  }
0xc3: {  	[tilespmem:s0], [sflag:$0x1] =	stream.linear.gather [hbm4b:s26+s2], $0x80, $0x38;
	[tilespmem:$0x10200] =	vst v63  }
0xc4: {  	s19 =	sadd.s32 $0x700, s13;
	(v2sf) =	vpush v0, $0xB;
	s22 =	sadd.s32 s3, s29;
	s30 =	spop (v2sf)  }
0xc5: {  	s0 =	sadd.s32 $0x680, s13;
	s26 =	sadd.s32 $0x380, s13;
	s25 =	sand.u32 $0x1FFFFFF0, s30  }
0xc6: {  	(v2sf) =	vpush v0, $0xC;
	[tilespmem:s23], [sflag:$0x1] =	stream.linear.gather [hbm4b:s22+s2], $0x80, $0x38;
	[tilespmem:$0x10200] =	vst v63  }
0xc7: {  	s31 =	sand.u32 $0x1FFFFFF0, s28;
	s28 =	spop (v2sf);
	s29 =	sadd.s32 s3, s25  }
0xc8: {  	(v2sf) =	vpush v0, $0xD;
	[tilespmem:s26], [sflag:$0x1] =	stream.linear.gather [hbm4b:s29+s2], $0x80, $0x38;
	[tilespmem:$0x10200] =	vst v63  }
0xc9: {  	s22 =	sadd.s32 s3, s31;
	s23 =	sand.u32 $0x1FFFFFF0, s28;
	s30 =	spop (v2sf)  }
0xca: {  	(v2sf) =	vpush v0, $0xE;
	[tilespmem:s20], [sflag:$0x1] =	stream.linear.gather [hbm4b:s22+s2], $0x80, $0x38;
	[tilespmem:$0x10200] =	vst v63  }
0xcb: {  	s23 =	sadd.s32 s3, s23;
	s31 =	sand.u32 $0x1FFFFFF0, s30;
	s24 =	spop (v2sf)  }
0xcc: {  	(v2sf) =	vpush v0, $0xF;
	[tilespmem:s17], [sflag:$0x1] =	stream.linear.gather [hbm4b:s23+s2], $0x80, $0x38;
	[tilespmem:$0x10200] =	vst v63  }
0xcd: {  	s25 =	sand.u32 $0x1FFFFFF0, s24;
	s26 =	spop (v2sf);
	s20 =	sadd.s32 s3, s31  }
0xce: {  	[tilespmem:s21], [sflag:$0x1] =	stream.linear.gather [hbm4b:s20+s2], $0x80, $0x38;
	[tilespmem:$0x10200] =	vst v63  }
0xcf: {  	s28 =	sand.u32 $0x1FFFFFF0, s26;
	s17 =	sadd.s32 s3, s25;
	s29 =	spop (v2sf)  }
0xd0: {  	[tilespmem:s1], [sflag:$0x1] =	stream.linear.gather [hbm4b:s17+s2], $0x80, $0x38;
	[tilespmem:$0x10200] =	vst v63  }
0xd1: {  	s20 =	sadd.s32 s3, s28;
	s30 =	sand.u32 $0x1FFFFFF0, s29;
	s31 =	spop (v2sf)  }
0xd2: {  	[tilespmem:s18], [sflag:$0x1] =	stream.linear.gather [hbm4b:s20+s2], $0x80, $0x38;
	[tilespmem:$0x10200] =	vst v63  }
0xd3: {  	s17 =	sand.u32 $0x1FFFFFF0, s31;
	s1 =	sadd.s32 s3, s30;
	s20 =	spop (v2sf)  }
0xd4: {  	[tilespmem:s0], [sflag:$0x1] =	stream.linear.gather [hbm4b:s1+s2], $0x80, $0x38;
	[tilespmem:$0x10200] =	vst v63  }
0xd5: {  	s17 =	sadd.s32 s3, s17;
	s21 =	sand.u32 $0x1FFFFFF0, s20;
	s22 =	spop (v2sf)  }
0xd6: {  	[tilespmem:s19], [sflag:$0x1] =	stream.linear.gather [hbm4b:s17+s2], $0x80, $0x38;
	[tilespmem:$0x10200] =	vst v63  }
0xd7: {  	s0 =	sadd.s32 s3, s21;
	s1 =	sand.u32 $0x1FFFFFF0, s22;
	s23 =	spop (v2sf)  }
0xd8: {  	[tilespmem:s16], [sflag:$0x1] =	stream.linear.gather [hbm4b:s0+s2], $0x80, $0x38;
	[tilespmem:$0x10200] =	vst v63  }
0xd9: {  	s24 =	sand.u32 $0x1FFFFFF0, s23;
	s1 =	sadd.s32 s3, s1;
	s25 =	spop (v2sf)  }
0xda: {  	[tilespmem:s14], [sflag:$0x1] =	stream.linear.gather [hbm4b:s1+s2], $0x80, $0x38;
	[tilespmem:$0x10200] =	vst v63  }
0xdb: {  	s26 =	sand.u32 $0x1FFFFFF0, s25;
	s28 =	spop (v2sf);
	s0 =	sadd.s32 s3, s24  }
0xdc: {  	[tilespmem:s15], [sflag:$0x1] =	stream.linear.gather [hbm4b:s0+s2], $0x80, $0x38;
	[tilespmem:$0x10200] =	vst v63  }
0xdd: {  	s30 =	sadd.s32 $0x900, s13;
	s29 =	sand.u32 $0x1FFFFFF0, s28;
	s1 =	sadd.s32 s3, s26  }
0xde: {  	[tilespmem:s30], [sflag:$0x1] =	stream.linear.gather [hbm4b:s1+s2], $0x80, $0x38;
	[tilespmem:$0x10200] =	vst v63  }
0xdf: {  	s31 =	sadd.s32 $0x980, s13;
	s0 =	sadd.s32 s3, s29  }
0xe0: {  	[tilespmem:s31], [sflag:$0x1] =	stream.linear.gather [hbm4b:s0+s2], $0x80, $0x38;
	[tilespmem:$0x10200] =	vst v63  }
0xe1: {  	s12 =	sadd.s32 $0x1, s12;
	_ =	swait.ge [sflag:s10], $0x10000  }
0xe2: {  	p0 =	sne.s32 s12, s8;
	[sflag:s10] =	ssyncset.done $0x0  }
.Ltmp2:
0xe3: {  	[sflag:s10] =	ssyncadd.s32 $0xFFFF0000;
	(pc) =	sbr.rel @p0 .LBB2_1-.Ltmp2, $4  }
0xe4: {  	[hbm4b:s7+s2] =	stream.linear.scatter [tilespmem:s11], [sflag:$0x2], $0x10000, $0x38;
	[tilespmem:$0x10200] =	vst v63  }
0xe5: {  	_ =	swait.ge [sflag:s9], $0x10000  }
0xe6: {  	[sflag:s9] =	ssyncset.done $0x0  }
0xe7: {  	[sflag:s9] =	ssyncadd.s32 $0xFFFF0000  }
0xe8: {  	_ =	sfence.sel $0x180000  }
0xe9: {  	[bflag:$0x0] =	sbarrier.arrive $0xFFFF  }
0xea: {  	_ =	strace $0x90000047  }
0xeb: {  	s0 =	stileid.u32;
	[bflag:$0x2] =	sbarrier.arrive $0xFFFF  }
0xec: {  	p0 =	sne.s32 s0, $0x0;
	s0 =	rddreg [dreg:$0x3]  }
0xed: {  	s0 =	sadd.s32 @!p0 $0x100000, s0  }
0xee: {  	[sflag:s0] =	ssyncadd.tile.s32 @!p0 $0x1;
	_ =	shalt  }
.Lfunc_end2:
_tile_overlayer_lowered:
.L_overlay_start_2:
0xef: {  	(tag) =	ssettag $0x2  }
0xf0: {  	s0 =	rddreg [dreg:$0x0];
	s2 =	stileid.u32  }
0xf1: {  	s1 =	rddreg [dreg:$0x1];
	p0 =	sne.s32 s2, $0x0  }
0xf2: {  	s3 =	rddreg [dreg:$0x2];
	[bflag:$0x3] =	sbarrier.arrive $0xFFFF;
	s2 =	simm.s32 @!p0 $0x1C02  }
0xf3: {  	[timem:s3], [sflag:s2] =	dma.local @!p0 [hbm:s0], s1  }
0xf4: {  	s0 =	simm.s32 @!p0 $0x2  }
0xf5: {  	_ =	swait.ge @!p0 [sflag:s0], s1  }
0xf6: {  	s1 =	ssub.s32 @!p0 $0x0, s1;
	[sflag:s0] =	ssyncset.done @!p0 $0x0  }
0xf7: {  	[sflag:s0] =	ssyncadd.s32 @!p0 s1  }
0xf8: {  	[bflag:$0x3] =	sbarrier.arrive $0xFFFF  }
0xf9: {  	_ =	shalt  }

</sc_bundles>
